<compile_context>
chip_gen: v7x
topology: tpu7x:2x2x1
jax: 0.10.2.dev20260603
libtpu: 0.0.44.dev20260713+nightly
codegen_flags: <defaults>
</compile_context>

<pallas_src>
import functools

import jax
import jax.numpy as jnp
from jax import lax
from jax.experimental import pallas as pl
from jax.experimental.pallas import tpu as pltpu
from jax.experimental.pallas import tpu_sc as plsc

_BATCH = 4
_SEQ = 8192
_EMB = 128
_NUM_CORES = 2
_NUM_SUBCORES = 16
_NUM_WORKERS = _NUM_CORES * _NUM_SUBCORES
_ROWS_PER_WORKER = _BATCH * _SEQ // _NUM_WORKERS
_WORKERS_PER_BATCH = _SEQ // _ROWS_PER_WORKER
_CHUNK = 128
_NUM_CHUNKS = _ROWS_PER_WORKER // _CHUNK
_NBUF = 6
_TOK_AHEAD = 4


@functools.partial(
    pl.kernel,
    out_type=jax.ShapeDtypeStruct((_BATCH, _SEQ, _EMB), jnp.float32),
    mesh=plsc.VectorSubcoreMesh(
        core_axis_name="c",
        subcore_axis_name="s",
        num_cores=_NUM_CORES,
        num_subcores=_NUM_SUBCORES,
    ),
    scratch_types=[
        pltpu.VMEM((_ROWS_PER_WORKER,), jnp.int32),
        pltpu.VMEM((_ROWS_PER_WORKER,), jnp.int32),
    ]
    + [pltpu.VMEM((_CHUNK, _EMB), jnp.float32) for _ in range(_NBUF)]
    + [pltpu.SemaphoreType.DMA for _ in range(3 * _NBUF + 2)],
)
def _embed_sc(tok_ids_hbm, pos_ids_hbm, tok_tab_hbm, pos_tab_hbm, out_hbm,
              idx_t, idx_p,
              r0, r1, r2, r3, r4, r5,
              sgt0, sgt1, sgt2, sgt3, sgt4, sgt5,
              sgp0, sgp1, sgp2, sgp3, sgp4, sgp5,
              swb0, swb1, swb2, swb3, swb4, swb5,
              sid_t, sid_p):
    rows = (r0, r1, r2, r3, r4, r5)
    sgt = (sgt0, sgt1, sgt2, sgt3, sgt4, sgt5)
    sgp = (sgp0, sgp1, sgp2, sgp3, sgp4, sgp5)
    swb = (swb0, swb1, swb2, swb3, swb4, swb5)

    wid = lax.axis_index("s") * _NUM_CORES + lax.axis_index("c")
    bi = wid // _WORKERS_PER_BATCH
    soff = (wid % _WORKERS_PER_BATCH) * _ROWS_PER_WORKER

    cid_t = pltpu.async_copy(
        tok_ids_hbm.at[bi, pl.ds(soff, _ROWS_PER_WORKER)], idx_t, sid_t)
    cid_p = pltpu.async_copy(
        pos_ids_hbm.at[bi, pl.ds(soff, _ROWS_PER_WORKER)], idx_p, sid_p)
    cid_t.wait()
    cid_p.wait()

    gt = [None] * _NBUF
    gp = [None] * _NBUF
    wb = [None] * _NBUF

    def fire_tok(ci):
        b = ci % _NBUF
        sl = pl.ds(ci * _CHUNK, _CHUNK)
        gt[b] = pltpu.async_copy(tok_tab_hbm.at[idx_t.at[sl]], rows[b], sgt[b])

    def fire_pos_add(ci):
        b = ci % _NBUF
        sl = pl.ds(ci * _CHUNK, _CHUNK)
        gp[b] = pltpu.async_copy(pos_tab_hbm.at[idx_p.at[sl]], rows[b], sgp[b],
                                 add=True)

    for ci in range(min(_TOK_AHEAD, _NUM_CHUNKS)):
        fire_tok(ci)
    gt[0].wait()
    fire_pos_add(0)

    for ci in range(_NUM_CHUNKS):
        b = ci % _NBUF
        gp[b].wait()

        dst = out_hbm.at[bi, pl.ds(soff + ci * _CHUNK, _CHUNK)]
        wb[b] = pltpu.async_copy(rows[b], dst, swb[b])

        if ci + 1 < _NUM_CHUNKS:
            gt[(ci + 1) % _NBUF].wait()
            fire_pos_add(ci + 1)

        nt = ci + _TOK_AHEAD
        if nt < _NUM_CHUNKS:
            bn = nt % _NBUF
            if nt >= _NBUF:
                wb[bn].wait()
            fire_tok(nt)

    for ci in range(max(0, _NUM_CHUNKS - _NBUF), _NUM_CHUNKS):
        wb[ci % _NBUF].wait()


def kernel(token_ids, position_ids, tok_table, pos_table):
    return _embed_sc(token_ids.astype(jnp.int32), position_ids.astype(jnp.int32),
                     tok_table, pos_table)

# --- scband reference (transcript-rebuilt; emitter-appended) ---
"""Pipeline reference for scband-embed-tokens-79534204387801 (READ-ONLY COPY).

The authoritative reference and input builder live on the scoring server;
editing this copy changes nothing except your own understanding.
"""

import jax, jax.numpy as jnp
import numpy as np

VOCAB_SIZE = 100000
MAX_LENGTH = 8192
EMB_SIZE = 128
BATCH = 4
SEQ_LEN = 8192


def setup_inputs(seed: int = 0) -> dict:
    key = jax.random.key(seed)
    k1, k2, k3, k4 = jax.random.split(key, 4)
    token_ids = jax.random.randint(k1, (BATCH, SEQ_LEN), 0, VOCAB_SIZE, dtype=jnp.int64 if jax.config.jax_enable_x64 else jnp.int32)
    position_ids = jax.random.randint(k2, (BATCH, SEQ_LEN), 0, MAX_LENGTH, dtype=jnp.int64 if jax.config.jax_enable_x64 else jnp.int32)
    # Learned parameters: flax nn.Embed default init is normal(stddev=1.0) scaled; use normal for faithfulness
    tok_table = jax.random.normal(k3, (VOCAB_SIZE, EMB_SIZE), dtype=jnp.float32)
    pos_table = jax.random.normal(k4, (MAX_LENGTH, EMB_SIZE), dtype=jnp.float32)
    return {"token_ids": token_ids, "position_ids": position_ids, "tok_table": tok_table, "pos_table": pos_table}


def reference(token_ids, position_ids, tok_table, pos_table):
    # nn.Embed(vocab_size, emb_size)(token_ids) -> gather rows
    tok_emb = jnp.take(tok_table, token_ids, axis=0)
    # nn.Embed(max_length, emb_size)(position_ids) -> gather rows
    pos_emb = jnp.take(pos_table, position_ids, axis=0)
    return tok_emb + pos_emb

if __name__ == "__main__":
    import jax
    _d = setup_inputs()
    print(jax.jit(kernel)(*tuple(_d.values())))

</pallas_src>

<mosaic_0001>
#map = affine_map<(d0, d1) -> (0, 0)>
#map1 = affine_map<(d0, d1) -> (0, 0, 0)>
module attributes {stable_mosaic.version = 14 : i64} {
  func.func @_embed_sc(%arg0: i32, %arg1: i32, %arg2: memref<4x8192xi32, #tpu.memory_space<hbm>>, %arg3: memref<4x8192xi32, #tpu.memory_space<hbm>>, %arg4: memref<100000x128xf32, #tpu.memory_space<hbm>>, %arg5: memref<8192x128xf32, #tpu.memory_space<hbm>>, %arg6: memref<4x8192x128xf32, #tpu.memory_space<hbm>>, %arg7: memref<1024xi32, #tpu.memory_space<vmem>>, %arg8: memref<1024xi32, #tpu.memory_space<vmem>>, %arg9: memref<128x128xf32, #tpu.memory_space<vmem>>, %arg10: memref<128x128xf32, #tpu.memory_space<vmem>>, %arg11: memref<128x128xf32, #tpu.memory_space<vmem>>, %arg12: memref<128x128xf32, #tpu.memory_space<vmem>>, %arg13: memref<128x128xf32, #tpu.memory_space<vmem>>, %arg14: memref<128x128xf32, #tpu.memory_space<vmem>>, %arg15: memref<!tpu.dma_semaphore, #tpu.memory_space<semaphore_mem>>, %arg16: memref<!tpu.dma_semaphore, #tpu.memory_space<semaphore_mem>>, %arg17: memref<!tpu.dma_semaphore, #tpu.memory_space<semaphore_mem>>, %arg18: memref<!tpu.dma_semaphore, #tpu.memory_space<semaphore_mem>>, %arg19: memref<!tpu.dma_semaphore, #tpu.memory_space<semaphore_mem>>, %arg20: memref<!tpu.dma_semaphore, #tpu.memory_space<semaphore_mem>>, %arg21: memref<!tpu.dma_semaphore, #tpu.memory_space<semaphore_mem>>, %arg22: memref<!tpu.dma_semaphore, #tpu.memory_space<semaphore_mem>>, %arg23: memref<!tpu.dma_semaphore, #tpu.memory_space<semaphore_mem>>, %arg24: memref<!tpu.dma_semaphore, #tpu.memory_space<semaphore_mem>>, %arg25: memref<!tpu.dma_semaphore, #tpu.memory_space<semaphore_mem>>, %arg26: memref<!tpu.dma_semaphore, #tpu.memory_space<semaphore_mem>>, %arg27: memref<!tpu.dma_semaphore, #tpu.memory_space<semaphore_mem>>, %arg28: memref<!tpu.dma_semaphore, #tpu.memory_space<semaphore_mem>>, %arg29: memref<!tpu.dma_semaphore, #tpu.memory_space<semaphore_mem>>, %arg30: memref<!tpu.dma_semaphore, #tpu.memory_space<semaphore_mem>>, %arg31: memref<!tpu.dma_semaphore, #tpu.memory_space<semaphore_mem>>, %arg32: memref<!tpu.dma_semaphore, #tpu.memory_space<semaphore_mem>>, %arg33: memref<!tpu.dma_semaphore, #tpu.memory_space<semaphore_mem>>, %arg34: memref<!tpu.dma_semaphore, #tpu.memory_space<semaphore_mem>>) attributes {dimension_semantics = [#tpu.dimension_semantics<core_parallel>, #tpu.dimension_semantics<subcore_parallel>], iteration_bounds = array<i64: 2, 16>, scalar_prefetch = 0 : i64, scratch_operands = 28 : i64, tpu.core_type = #tpu.core_type<sc_vector_subcore>, window_params = [{transform_indices = #map}, {transform_indices = #map}, {transform_indices = #map}, {transform_indices = #map}, {transform_indices = #map1}]} {
    %mul3A = arith.constant 2 : i32
    %mul3A_0 = arith.muli %arg1, %mul3A : i32
    %add3A = arith.addi %mul3A_0, %arg0 : i32
    %jit3A = arith.constant 8 : i32
    %div3A = arith.divsi %add3A, %jit3A : i32
    %sign3A = arith.constant 0 : i32
    %sign3A_1 = arith.cmpi sgt, %add3A, %sign3A : i32
    %sign3A_2 = arith.extui %sign3A_1 : i1 to i32
    %sign3A_3 = arith.constant 0 : i32
    %sign3A_4 = arith.cmpi slt, %add3A, %sign3A_3 : i32
    %sign3A_5 = arith.extui %sign3A_4 : i1 to i32
    %sign3A_6 = arith.subi %sign3A_2, %sign3A_5 : i32
    %sign3A_7 = arith.constant 0 : i32
    %sign3A_8 = arith.cmpi sgt, %jit3A, %sign3A_7 : i32
    %sign3A_9 = arith.extui %sign3A_8 : i1 to i32
    %sign3A_10 = arith.constant 0 : i32
    %sign3A_11 = arith.cmpi slt, %jit3A, %sign3A_10 : i32
    %sign3A_12 = arith.extui %sign3A_11 : i1 to i32
    %sign3A_13 = arith.subi %sign3A_9, %sign3A_12 : i32
    %ne3A = arith.cmpi ne, %sign3A_6, %sign3A_13 : i32
    %rem3A = arith.remsi %add3A, %jit3A : i32
    %ne3A_14 = arith.constant 0 : i32
    %ne3A_15 = arith.cmpi ne, %rem3A, %ne3A_14 : i32
    %and3A = arith.andi %ne3A, %ne3A_15 : i1
    %sub3A = arith.constant 1 : i32
    %sub3A_16 = arith.subi %div3A, %sub3A : i32
    %select_n3A = arith.select %and3A, %sub3A_16, %div3A : i32
    %jit3A_17 = arith.constant 8 : i32
    %eq3A = arith.constant 0 : i32
    %eq3A_18 = arith.cmpi eq, %jit3A_17, %eq3A : i32
    %jit3A_19 = arith.constant 1 : i32
    %select_n3A_20 = arith.select %eq3A_18, %jit3A_19, %jit3A_17 : i32
    %rem3A_21 = arith.remsi %add3A, %select_n3A_20 : i32
    %ne3A_22 = arith.constant 0 : i32
    %ne3A_23 = arith.cmpi ne, %rem3A_21, %ne3A_22 : i32
    %lt3A = arith.constant 0 : i32
    %lt3A_24 = arith.cmpi slt, %rem3A_21, %lt3A : i32
    %lt3A_25 = arith.constant 0 : i32
    %lt3A_26 = arith.cmpi slt, %select_n3A_20, %lt3A_25 : i32
    %ne3A_27 = arith.xori %lt3A_24, %lt3A_26 : i1
    %and3A_28 = arith.andi %ne3A_27, %ne3A_23 : i1
    %add3A_29 = arith.addi %rem3A_21, %select_n3A_20 : i32
    %select_n3A_30 = arith.select %and3A_28, %add3A_29, %rem3A_21 : i32
    %mul3A_31 = arith.constant 1024 : i32
    %mul3A_32 = arith.muli %select_n3A_30, %mul3A_31 : i32
    %dma_start3A = tpu.memref_slice %arg2[%select_n3A, %mul3A_32] : memref<4x8192xi32, #tpu.memory_space<hbm>> -> memref<1x1024xi32, #tpu.memory_space<hbm>>
    %dma_start3A_33 = tpu.memref_squeeze %dma_start3A : memref<1x1024xi32, #tpu.memory_space<hbm>> -> memref<1024xi32, #tpu.memory_space<hbm>>
    %dma_start3A_34 = tpu.memref_slice %arg2[%select_n3A, %mul3A_32] : memref<4x8192xi32, #tpu.memory_space<hbm>> -> memref<1x1024xi32, #tpu.memory_space<hbm>>
    %dma_start3A_35 = tpu.memref_squeeze %dma_start3A_34 : memref<1x1024xi32, #tpu.memory_space<hbm>> -> memref<1024xi32, #tpu.memory_space<hbm>>
    tpu.enqueue_dma source(%dma_start3A_35 : memref<1024xi32, #tpu.memory_space<hbm>>) target(%arg7 : memref<1024xi32, #tpu.memory_space<vmem>>) target_semaphore(%arg33 : memref<!tpu.dma_semaphore, #tpu.memory_space<semaphore_mem>>)
    %dma_start3A_36 = tpu.memref_slice %arg3[%select_n3A, %mul3A_32] : memref<4x8192xi32, #tpu.memory_space<hbm>> -> memref<1x1024xi32, #tpu.memory_space<hbm>>
    %dma_start3A_37 = tpu.memref_squeeze %dma_start3A_36 : memref<1x1024xi32, #tpu.memory_space<hbm>> -> memref<1024xi32, #tpu.memory_space<hbm>>
    %dma_start3A_38 = tpu.memref_slice %arg3[%select_n3A, %mul3A_32] : memref<4x8192xi32, #tpu.memory_space<hbm>> -> memref<1x1024xi32, #tpu.memory_space<hbm>>
    %dma_start3A_39 = tpu.memref_squeeze %dma_start3A_38 : memref<1x1024xi32, #tpu.memory_space<hbm>> -> memref<1024xi32, #tpu.memory_space<hbm>>
    tpu.enqueue_dma source(%dma_start3A_39 : memref<1024xi32, #tpu.memory_space<hbm>>) target(%arg8 : memref<1024xi32, #tpu.memory_space<vmem>>) target_semaphore(%arg34 : memref<!tpu.dma_semaphore, #tpu.memory_space<semaphore_mem>>)
    %dma_wait3A = tpu.memref_slice %arg2[%select_n3A, %mul3A_32] : memref<4x8192xi32, #tpu.memory_space<hbm>> -> memref<1x1024xi32, #tpu.memory_space<hbm>>
    %dma_wait3A_40 = tpu.memref_squeeze %dma_wait3A : memref<1x1024xi32, #tpu.memory_space<hbm>> -> memref<1024xi32, #tpu.memory_space<hbm>>
    %dma_wait3A_41 = tpu.memref_slice %arg2[%select_n3A, %mul3A_32] : memref<4x8192xi32, #tpu.memory_space<hbm>> -> memref<1x1024xi32, #tpu.memory_space<hbm>>
    %dma_wait3A_42 = tpu.memref_squeeze %dma_wait3A_41 : memref<1x1024xi32, #tpu.memory_space<hbm>> -> memref<1024xi32, #tpu.memory_space<hbm>>
    tpu.wait_dma2 semaphore(%arg33 : memref<!tpu.dma_semaphore, #tpu.memory_space<semaphore_mem>>) src(%dma_wait3A_42 : memref<1024xi32, #tpu.memory_space<hbm>>) dst(%arg7 : memref<1024xi32, #tpu.memory_space<vmem>>)
    %dma_wait3A_43 = tpu.memref_slice %arg3[%select_n3A, %mul3A_32] : memref<4x8192xi32, #tpu.memory_space<hbm>> -> memref<1x1024xi32, #tpu.memory_space<hbm>>
    %dma_wait3A_44 = tpu.memref_squeeze %dma_wait3A_43 : memref<1x1024xi32, #tpu.memory_space<hbm>> -> memref<1024xi32, #tpu.memory_space<hbm>>
    %dma_wait3A_45 = tpu.memref_slice %arg3[%select_n3A, %mul3A_32] : memref<4x8192xi32, #tpu.memory_space<hbm>> -> memref<1x1024xi32, #tpu.memory_space<hbm>>
    %dma_wait3A_46 = tpu.memref_squeeze %dma_wait3A_45 : memref<1x1024xi32, #tpu.memory_space<hbm>> -> memref<1024xi32, #tpu.memory_space<hbm>>
    tpu.wait_dma2 semaphore(%arg34 : memref<!tpu.dma_semaphore, #tpu.memory_space<semaphore_mem>>) src(%dma_wait3A_46 : memref<1024xi32, #tpu.memory_space<hbm>>) dst(%arg8 : memref<1024xi32, #tpu.memory_space<vmem>>)
    %dma_start3A_47 = arith.constant 0 : i32
    %dma_start3A_48 = tpu.memref_slice %arg7[%dma_start3A_47] : memref<1024xi32, #tpu.memory_space<vmem>> -> memref<128xi32, #tpu.memory_space<vmem>>
    %dma_start3A_49 = arith.constant 0 : i32
    %dma_start3A_50 = arith.constant 0 : i32
    %dma_start3A_51 = tpu.memref_slice %arg4[%dma_start3A_49, %dma_start3A_50] : memref<100000x128xf32, #tpu.memory_space<hbm>> -> memref<100000x128xf32, #tpu.memory_space<hbm>>
    tpu.enqueue_indirect_dma source(%dma_start3A_51 : memref<100000x128xf32, #tpu.memory_space<hbm>>) target(%arg9 : memref<128x128xf32, #tpu.memory_space<vmem>>) offsets(%dma_start3A_48 : memref<128xi32, #tpu.memory_space<vmem>>) semaphore(%arg15 : memref<!tpu.dma_semaphore, #tpu.memory_space<semaphore_mem>>)
    %dma_start3A_52 = arith.constant 128 : i32
    %dma_start3A_53 = tpu.memref_slice %arg7[%dma_start3A_52] : memref<1024xi32, #tpu.memory_space<vmem>> -> memref<128xi32, #tpu.memory_space<vmem>>
    %dma_start3A_54 = arith.constant 0 : i32
    %dma_start3A_55 = arith.constant 0 : i32
    %dma_start3A_56 = tpu.memref_slice %arg4[%dma_start3A_54, %dma_start3A_55] : memref<100000x128xf32, #tpu.memory_space<hbm>> -> memref<100000x128xf32, #tpu.memory_space<hbm>>
    tpu.enqueue_indirect_dma source(%dma_start3A_56 : memref<100000x128xf32, #tpu.memory_space<hbm>>) target(%arg10 : memref<128x128xf32, #tpu.memory_space<vmem>>) offsets(%dma_start3A_53 : memref<128xi32, #tpu.memory_space<vmem>>) semaphore(%arg16 : memref<!tpu.dma_semaphore, #tpu.memory_space<semaphore_mem>>)
    %dma_start3A_57 = arith.constant 256 : i32
    %dma_start3A_58 = tpu.memref_slice %arg7[%dma_start3A_57] : memref<1024xi32, #tpu.memory_space<vmem>> -> memref<128xi32, #tpu.memory_space<vmem>>
    %dma_start3A_59 = arith.constant 0 : i32
    %dma_start3A_60 = arith.constant 0 : i32
    %dma_start3A_61 = tpu.memref_slice %arg4[%dma_start3A_59, %dma_start3A_60] : memref<100000x128xf32, #tpu.memory_space<hbm>> -> memref<100000x128xf32, #tpu.memory_space<hbm>>
    tpu.enqueue_indirect_dma source(%dma_start3A_61 : memref<100000x128xf32, #tpu.memory_space<hbm>>) target(%arg11 : memref<128x128xf32, #tpu.memory_space<vmem>>) offsets(%dma_start3A_58 : memref<128xi32, #tpu.memory_space<vmem>>) semaphore(%arg17 : memref<!tpu.dma_semaphore, #tpu.memory_space<semaphore_mem>>)
    %dma_start3A_62 = arith.constant 384 : i32
    %dma_start3A_63 = tpu.memref_slice %arg7[%dma_start3A_62] : memref<1024xi32, #tpu.memory_space<vmem>> -> memref<128xi32, #tpu.memory_space<vmem>>
    %dma_start3A_64 = arith.constant 0 : i32
    %dma_start3A_65 = arith.constant 0 : i32
    %dma_start3A_66 = tpu.memref_slice %arg4[%dma_start3A_64, %dma_start3A_65] : memref<100000x128xf32, #tpu.memory_space<hbm>> -> memref<100000x128xf32, #tpu.memory_space<hbm>>
    tpu.enqueue_indirect_dma source(%dma_start3A_66 : memref<100000x128xf32, #tpu.memory_space<hbm>>) target(%arg12 : memref<128x128xf32, #tpu.memory_space<vmem>>) offsets(%dma_start3A_63 : memref<128xi32, #tpu.memory_space<vmem>>) semaphore(%arg18 : memref<!tpu.dma_semaphore, #tpu.memory_space<semaphore_mem>>)
    %dma_wait3A_67 = arith.constant 0 : i32
    %dma_wait3A_68 = tpu.memref_slice %arg7[%dma_wait3A_67] : memref<1024xi32, #tpu.memory_space<vmem>> -> memref<128xi32, #tpu.memory_space<vmem>>
    %dma_wait3A_69 = arith.constant 0 : i32
    %dma_wait3A_70 = arith.constant 0 : i32
    %dma_wait3A_71 = tpu.memref_slice %arg4[%dma_wait3A_69, %dma_wait3A_70] : memref<100000x128xf32, #tpu.memory_space<hbm>> -> memref<100000x128xf32, #tpu.memory_space<hbm>>
    tpu.wait_indirect_dma semaphore(%arg15 : memref<!tpu.dma_semaphore, #tpu.memory_space<semaphore_mem>>) src(%dma_wait3A_71 : memref<100000x128xf32, #tpu.memory_space<hbm>>) dst(%arg9 : memref<128x128xf32, #tpu.memory_space<vmem>>)
    %dma_start3A_72 = arith.constant 0 : i32
    %dma_start3A_73 = tpu.memref_slice %arg8[%dma_start3A_72] : memref<1024xi32, #tpu.memory_space<vmem>> -> memref<128xi32, #tpu.memory_space<vmem>>
    %dma_start3A_74 = arith.constant 0 : i32
    %dma_start3A_75 = arith.constant 0 : i32
    %dma_start3A_76 = tpu.memref_slice %arg5[%dma_start3A_74, %dma_start3A_75] : memref<8192x128xf32, #tpu.memory_space<hbm>> -> memref<8192x128xf32, #tpu.memory_space<hbm>>
    tpu.enqueue_indirect_dma source(%dma_start3A_76 : memref<8192x128xf32, #tpu.memory_space<hbm>>) target(%arg9 : memref<128x128xf32, #tpu.memory_space<vmem>>) offsets(%dma_start3A_73 : memref<128xi32, #tpu.memory_space<vmem>>) semaphore(%arg21 : memref<!tpu.dma_semaphore, #tpu.memory_space<semaphore_mem>>) {add = true}
    %dma_wait3A_77 = arith.constant 0 : i32
    %dma_wait3A_78 = tpu.memref_slice %arg8[%dma_wait3A_77] : memref<1024xi32, #tpu.memory_space<vmem>> -> memref<128xi32, #tpu.memory_space<vmem>>
    %dma_wait3A_79 = arith.constant 0 : i32
    %dma_wait3A_80 = arith.constant 0 : i32
    %dma_wait3A_81 = tpu.memref_slice %arg5[%dma_wait3A_79, %dma_wait3A_80] : memref<8192x128xf32, #tpu.memory_space<hbm>> -> memref<8192x128xf32, #tpu.memory_space<hbm>>
    tpu.wait_indirect_dma semaphore(%arg21 : memref<!tpu.dma_semaphore, #tpu.memory_space<semaphore_mem>>) src(%dma_wait3A_81 : memref<8192x128xf32, #tpu.memory_space<hbm>>) dst(%arg9 : memref<128x128xf32, #tpu.memory_space<vmem>>)
    %add3A_82 = arith.constant 0 : i32
    %add3A_83 = arith.addi %mul3A_32, %add3A_82 : i32
    %dma_start3A_84 = arith.constant 0 : i32
    %dma_start3A_85 = tpu.memref_slice %arg6[%select_n3A, %add3A_83, %dma_start3A_84] : memref<4x8192x128xf32, #tpu.memory_space<hbm>> -> memref<1x128x128xf32, #tpu.memory_space<hbm>>
    %dma_start3A_86 = tpu.memref_squeeze %dma_start3A_85 : memref<1x128x128xf32, #tpu.memory_space<hbm>> -> memref<128x128xf32, #tpu.memory_space<hbm>>
    %dma_start3A_87 = arith.constant 0 : i32
    %dma_start3A_88 = tpu.memref_slice %arg6[%select_n3A, %add3A_83, %dma_start3A_87] : memref<4x8192x128xf32, #tpu.memory_space<hbm>> -> memref<1x128x128xf32, #tpu.memory_space<hbm>>
    %dma_start3A_89 = tpu.memref_squeeze %dma_start3A_88 : memref<1x128x128xf32, #tpu.memory_space<hbm>> -> memref<128x128xf32, #tpu.memory_space<hbm>>
    tpu.enqueue_dma source(%arg9 : memref<128x128xf32, #tpu.memory_space<vmem>>) target(%dma_start3A_89 : memref<128x128xf32, #tpu.memory_space<hbm>>) target_semaphore(%arg27 : memref<!tpu.dma_semaphore, #tpu.memory_space<semaphore_mem>>)
    %dma_wait3A_90 = arith.constant 128 : i32
    %dma_wait3A_91 = tpu.memref_slice %arg7[%dma_wait3A_90] : memref<1024xi32, #tpu.memory_space<vmem>> -> memref<128xi32, #tpu.memory_space<vmem>>
    %dma_wait3A_92 = arith.constant 0 : i32
    %dma_wait3A_93 = arith.constant 0 : i32
    %dma_wait3A_94 = tpu.memref_slice %arg4[%dma_wait3A_92, %dma_wait3A_93] : memref<100000x128xf32, #tpu.memory_space<hbm>> -> memref<100000x128xf32, #tpu.memory_space<hbm>>
    tpu.wait_indirect_dma semaphore(%arg16 : memref<!tpu.dma_semaphore, #tpu.memory_space<semaphore_mem>>) src(%dma_wait3A_94 : memref<100000x128xf32, #tpu.memory_space<hbm>>) dst(%arg10 : memref<128x128xf32, #tpu.memory_space<vmem>>)
    %dma_start3A_95 = arith.constant 128 : i32
    %dma_start3A_96 = tpu.memref_slice %arg8[%dma_start3A_95] : memref<1024xi32, #tpu.memory_space<vmem>> -> memref<128xi32, #tpu.memory_space<vmem>>
    %dma_start3A_97 = arith.constant 0 : i32
    %dma_start3A_98 = arith.constant 0 : i32
    %dma_start3A_99 = tpu.memref_slice %arg5[%dma_start3A_97, %dma_start3A_98] : memref<8192x128xf32, #tpu.memory_space<hbm>> -> memref<8192x128xf32, #tpu.memory_space<hbm>>
    tpu.enqueue_indirect_dma source(%dma_start3A_99 : memref<8192x128xf32, #tpu.memory_space<hbm>>) target(%arg10 : memref<128x128xf32, #tpu.memory_space<vmem>>) offsets(%dma_start3A_96 : memref<128xi32, #tpu.memory_space<vmem>>) semaphore(%arg22 : memref<!tpu.dma_semaphore, #tpu.memory_space<semaphore_mem>>) {add = true}
    %dma_start3A_100 = arith.constant 512 : i32
    %dma_start3A_101 = tpu.memref_slice %arg7[%dma_start3A_100] : memref<1024xi32, #tpu.memory_space<vmem>> -> memref<128xi32, #tpu.memory_space<vmem>>
    %dma_start3A_102 = arith.constant 0 : i32
    %dma_start3A_103 = arith.constant 0 : i32
    %dma_start3A_104 = tpu.memref_slice %arg4[%dma_start3A_102, %dma_start3A_103] : memref<100000x128xf32, #tpu.memory_space<hbm>> -> memref<100000x128xf32, #tpu.memory_space<hbm>>
    tpu.enqueue_indirect_dma source(%dma_start3A_104 : memref<100000x128xf32, #tpu.memory_space<hbm>>) target(%arg13 : memref<128x128xf32, #tpu.memory_space<vmem>>) offsets(%dma_start3A_101 : memref<128xi32, #tpu.memory_space<vmem>>) semaphore(%arg19 : memref<!tpu.dma_semaphore, #tpu.memory_space<semaphore_mem>>)
    %dma_wait3A_105 = arith.constant 128 : i32
    %dma_wait3A_106 = tpu.memref_slice %arg8[%dma_wait3A_105] : memref<1024xi32, #tpu.memory_space<vmem>> -> memref<128xi32, #tpu.memory_space<vmem>>
    %dma_wait3A_107 = arith.constant 0 : i32
    %dma_wait3A_108 = arith.constant 0 : i32
    %dma_wait3A_109 = tpu.memref_slice %arg5[%dma_wait3A_107, %dma_wait3A_108] : memref<8192x128xf32, #tpu.memory_space<hbm>> -> memref<8192x128xf32, #tpu.memory_space<hbm>>
    tpu.wait_indirect_dma semaphore(%arg22 : memref<!tpu.dma_semaphore, #tpu.memory_space<semaphore_mem>>) src(%dma_wait3A_109 : memref<8192x128xf32, #tpu.memory_space<hbm>>) dst(%arg10 : memref<128x128xf32, #tpu.memory_space<vmem>>)
    %add3A_110 = arith.constant 128 : i32
    %add3A_111 = arith.addi %mul3A_32, %add3A_110 : i32
    %dma_start3A_112 = arith.constant 0 : i32
    %dma_start3A_113 = tpu.memref_slice %arg6[%select_n3A, %add3A_111, %dma_start3A_112] : memref<4x8192x128xf32, #tpu.memory_space<hbm>> -> memref<1x128x128xf32, #tpu.memory_space<hbm>>
    %dma_start3A_114 = tpu.memref_squeeze %dma_start3A_113 : memref<1x128x128xf32, #tpu.memory_space<hbm>> -> memref<128x128xf32, #tpu.memory_space<hbm>>
    %dma_start3A_115 = arith.constant 0 : i32
    %dma_start3A_116 = tpu.memref_slice %arg6[%select_n3A, %add3A_111, %dma_start3A_115] : memref<4x8192x128xf32, #tpu.memory_space<hbm>> -> memref<1x128x128xf32, #tpu.memory_space<hbm>>
    %dma_start3A_117 = tpu.memref_squeeze %dma_start3A_116 : memref<1x128x128xf32, #tpu.memory_space<hbm>> -> memref<128x128xf32, #tpu.memory_space<hbm>>
    tpu.enqueue_dma source(%arg10 : memref<128x128xf32, #tpu.memory_space<vmem>>) target(%dma_start3A_117 : memref<128x128xf32, #tpu.memory_space<hbm>>) target_semaphore(%arg28 : memref<!tpu.dma_semaphore, #tpu.memory_space<semaphore_mem>>)
    %dma_wait3A_118 = arith.constant 256 : i32
    %dma_wait3A_119 = tpu.memref_slice %arg7[%dma_wait3A_118] : memref<1024xi32, #tpu.memory_space<vmem>> -> memref<128xi32, #tpu.memory_space<vmem>>
    %dma_wait3A_120 = arith.constant 0 : i32
    %dma_wait3A_121 = arith.constant 0 : i32
    %dma_wait3A_122 = tpu.memref_slice %arg4[%dma_wait3A_120, %dma_wait3A_121] : memref<100000x128xf32, #tpu.memory_space<hbm>> -> memref<100000x128xf32, #tpu.memory_space<hbm>>
    tpu.wait_indirect_dma semaphore(%arg17 : memref<!tpu.dma_semaphore, #tpu.memory_space<semaphore_mem>>) src(%dma_wait3A_122 : memref<100000x128xf32, #tpu.memory_space<hbm>>) dst(%arg11 : memref<128x128xf32, #tpu.memory_space<vmem>>)
    %dma_start3A_123 = arith.constant 256 : i32
    %dma_start3A_124 = tpu.memref_slice %arg8[%dma_start3A_123] : memref<1024xi32, #tpu.memory_space<vmem>> -> memref<128xi32, #tpu.memory_space<vmem>>
    %dma_start3A_125 = arith.constant 0 : i32
    %dma_start3A_126 = arith.constant 0 : i32
    %dma_start3A_127 = tpu.memref_slice %arg5[%dma_start3A_125, %dma_start3A_126] : memref<8192x128xf32, #tpu.memory_space<hbm>> -> memref<8192x128xf32, #tpu.memory_space<hbm>>
    tpu.enqueue_indirect_dma source(%dma_start3A_127 : memref<8192x128xf32, #tpu.memory_space<hbm>>) target(%arg11 : memref<128x128xf32, #tpu.memory_space<vmem>>) offsets(%dma_start3A_124 : memref<128xi32, #tpu.memory_space<vmem>>) semaphore(%arg23 : memref<!tpu.dma_semaphore, #tpu.memory_space<semaphore_mem>>) {add = true}
    %dma_start3A_128 = arith.constant 640 : i32
    %dma_start3A_129 = tpu.memref_slice %arg7[%dma_start3A_128] : memref<1024xi32, #tpu.memory_space<vmem>> -> memref<128xi32, #tpu.memory_space<vmem>>
    %dma_start3A_130 = arith.constant 0 : i32
    %dma_start3A_131 = arith.constant 0 : i32
    %dma_start3A_132 = tpu.memref_slice %arg4[%dma_start3A_130, %dma_start3A_131] : memref<100000x128xf32, #tpu.memory_space<hbm>> -> memref<100000x128xf32, #tpu.memory_space<hbm>>
    tpu.enqueue_indirect_dma source(%dma_start3A_132 : memref<100000x128xf32, #tpu.memory_space<hbm>>) target(%arg14 : memref<128x128xf32, #tpu.memory_space<vmem>>) offsets(%dma_start3A_129 : memref<128xi32, #tpu.memory_space<vmem>>) semaphore(%arg20 : memref<!tpu.dma_semaphore, #tpu.memory_space<semaphore_mem>>)
    %dma_wait3A_133 = arith.constant 256 : i32
    %dma_wait3A_134 = tpu.memref_slice %arg8[%dma_wait3A_133] : memref<1024xi32, #tpu.memory_space<vmem>> -> memref<128xi32, #tpu.memory_space<vmem>>
    %dma_wait3A_135 = arith.constant 0 : i32
    %dma_wait3A_136 = arith.constant 0 : i32
    %dma_wait3A_137 = tpu.memref_slice %arg5[%dma_wait3A_135, %dma_wait3A_136] : memref<8192x128xf32, #tpu.memory_space<hbm>> -> memref<8192x128xf32, #tpu.memory_space<hbm>>
    tpu.wait_indirect_dma semaphore(%arg23 : memref<!tpu.dma_semaphore, #tpu.memory_space<semaphore_mem>>) src(%dma_wait3A_137 : memref<8192x128xf32, #tpu.memory_space<hbm>>) dst(%arg11 : memref<128x128xf32, #tpu.memory_space<vmem>>)
    %add3A_138 = arith.constant 256 : i32
    %add3A_139 = arith.addi %mul3A_32, %add3A_138 : i32
    %dma_start3A_140 = arith.constant 0 : i32
    %dma_start3A_141 = tpu.memref_slice %arg6[%select_n3A, %add3A_139, %dma_start3A_140] : memref<4x8192x128xf32, #tpu.memory_space<hbm>> -> memref<1x128x128xf32, #tpu.memory_space<hbm>>
    %dma_start3A_142 = tpu.memref_squeeze %dma_start3A_141 : memref<1x128x128xf32, #tpu.memory_space<hbm>> -> memref<128x128xf32, #tpu.memory_space<hbm>>
    %dma_start3A_143 = arith.constant 0 : i32
    %dma_start3A_144 = tpu.memref_slice %arg6[%select_n3A, %add3A_139, %dma_start3A_143] : memref<4x8192x128xf32, #tpu.memory_space<hbm>> -> memref<1x128x128xf32, #tpu.memory_space<hbm>>
    %dma_start3A_145 = tpu.memref_squeeze %dma_start3A_144 : memref<1x128x128xf32, #tpu.memory_space<hbm>> -> memref<128x128xf32, #tpu.memory_space<hbm>>
    tpu.enqueue_dma source(%arg11 : memref<128x128xf32, #tpu.memory_space<vmem>>) target(%dma_start3A_145 : memref<128x128xf32, #tpu.memory_space<hbm>>) target_semaphore(%arg29 : memref<!tpu.dma_semaphore, #tpu.memory_space<semaphore_mem>>)
    %dma_wait3A_146 = arith.constant 384 : i32
    %dma_wait3A_147 = tpu.memref_slice %arg7[%dma_wait3A_146] : memref<1024xi32, #tpu.memory_space<vmem>> -> memref<128xi32, #tpu.memory_space<vmem>>
    %dma_wait3A_148 = arith.constant 0 : i32
    %dma_wait3A_149 = arith.constant 0 : i32
    %dma_wait3A_150 = tpu.memref_slice %arg4[%dma_wait3A_148, %dma_wait3A_149] : memref<100000x128xf32, #tpu.memory_space<hbm>> -> memref<100000x128xf32, #tpu.memory_space<hbm>>
    tpu.wait_indirect_dma semaphore(%arg18 : memref<!tpu.dma_semaphore, #tpu.memory_space<semaphore_mem>>) src(%dma_wait3A_150 : memref<100000x128xf32, #tpu.memory_space<hbm>>) dst(%arg12 : memref<128x128xf32, #tpu.memory_space<vmem>>)
    %dma_start3A_151 = arith.constant 384 : i32
    %dma_start3A_152 = tpu.memref_slice %arg8[%dma_start3A_151] : memref<1024xi32, #tpu.memory_space<vmem>> -> memref<128xi32, #tpu.memory_space<vmem>>
    %dma_start3A_153 = arith.constant 0 : i32
    %dma_start3A_154 = arith.constant 0 : i32
    %dma_start3A_155 = tpu.memref_slice %arg5[%dma_start3A_153, %dma_start3A_154] : memref<8192x128xf32, #tpu.memory_space<hbm>> -> memref<8192x128xf32, #tpu.memory_space<hbm>>
    tpu.enqueue_indirect_dma source(%dma_start3A_155 : memref<8192x128xf32, #tpu.memory_space<hbm>>) target(%arg12 : memref<128x128xf32, #tpu.memory_space<vmem>>) offsets(%dma_start3A_152 : memref<128xi32, #tpu.memory_space<vmem>>) semaphore(%arg24 : memref<!tpu.dma_semaphore, #tpu.memory_space<semaphore_mem>>) {add = true}
    %dma_wait3A_156 = arith.constant 0 : i32
    %dma_wait3A_157 = tpu.memref_slice %arg6[%select_n3A, %add3A_83, %dma_wait3A_156] : memref<4x8192x128xf32, #tpu.memory_space<hbm>> -> memref<1x128x128xf32, #tpu.memory_space<hbm>>
    %dma_wait3A_158 = tpu.memref_squeeze %dma_wait3A_157 : memref<1x128x128xf32, #tpu.memory_space<hbm>> -> memref<128x128xf32, #tpu.memory_space<hbm>>
    %dma_wait3A_159 = arith.constant 0 : i32
    %dma_wait3A_160 = tpu.memref_slice %arg6[%select_n3A, %add3A_83, %dma_wait3A_159] : memref<4x8192x128xf32, #tpu.memory_space<hbm>> -> memref<1x128x128xf32, #tpu.memory_space<hbm>>
    %dma_wait3A_161 = tpu.memref_squeeze %dma_wait3A_160 : memref<1x128x128xf32, #tpu.memory_space<hbm>> -> memref<128x128xf32, #tpu.memory_space<hbm>>
    tpu.wait_dma2 semaphore(%arg27 : memref<!tpu.dma_semaphore, #tpu.memory_space<semaphore_mem>>) src(%arg9 : memref<128x128xf32, #tpu.memory_space<vmem>>) dst(%dma_wait3A_161 : memref<128x128xf32, #tpu.memory_space<hbm>>)
    %dma_start3A_162 = arith.constant 768 : i32
    %dma_start3A_163 = tpu.memref_slice %arg7[%dma_start3A_162] : memref<1024xi32, #tpu.memory_space<vmem>> -> memref<128xi32, #tpu.memory_space<vmem>>
    %dma_start3A_164 = arith.constant 0 : i32
    %dma_start3A_165 = arith.constant 0 : i32
    %dma_start3A_166 = tpu.memref_slice %arg4[%dma_start3A_164, %dma_start3A_165] : memref<100000x128xf32, #tpu.memory_space<hbm>> -> memref<100000x128xf32, #tpu.memory_space<hbm>>
    tpu.enqueue_indirect_dma source(%dma_start3A_166 : memref<100000x128xf32, #tpu.memory_space<hbm>>) target(%arg9 : memref<128x128xf32, #tpu.memory_space<vmem>>) offsets(%dma_start3A_163 : memref<128xi32, #tpu.memory_space<vmem>>) semaphore(%arg15 : memref<!tpu.dma_semaphore, #tpu.memory_space<semaphore_mem>>)
    %dma_wait3A_167 = arith.constant 384 : i32
    %dma_wait3A_168 = tpu.memref_slice %arg8[%dma_wait3A_167] : memref<1024xi32, #tpu.memory_space<vmem>> -> memref<128xi32, #tpu.memory_space<vmem>>
    %dma_wait3A_169 = arith.constant 0 : i32
    %dma_wait3A_170 = arith.constant 0 : i32
    %dma_wait3A_171 = tpu.memref_slice %arg5[%dma_wait3A_169, %dma_wait3A_170] : memref<8192x128xf32, #tpu.memory_space<hbm>> -> memref<8192x128xf32, #tpu.memory_space<hbm>>
    tpu.wait_indirect_dma semaphore(%arg24 : memref<!tpu.dma_semaphore, #tpu.memory_space<semaphore_mem>>) src(%dma_wait3A_171 : memref<8192x128xf32, #tpu.memory_space<hbm>>) dst(%arg12 : memref<128x128xf32, #tpu.memory_space<vmem>>)
    %add3A_172 = arith.constant 384 : i32
    %add3A_173 = arith.addi %mul3A_32, %add3A_172 : i32
    %dma_start3A_174 = arith.constant 0 : i32
    %dma_start3A_175 = tpu.memref_slice %arg6[%select_n3A, %add3A_173, %dma_start3A_174] : memref<4x8192x128xf32, #tpu.memory_space<hbm>> -> memref<1x128x128xf32, #tpu.memory_space<hbm>>
    %dma_start3A_176 = tpu.memref_squeeze %dma_start3A_175 : memref<1x128x128xf32, #tpu.memory_space<hbm>> -> memref<128x128xf32, #tpu.memory_space<hbm>>
    %dma_start3A_177 = arith.constant 0 : i32
    %dma_start3A_178 = tpu.memref_slice %arg6[%select_n3A, %add3A_173, %dma_start3A_177] : memref<4x8192x128xf32, #tpu.memory_space<hbm>> -> memref<1x128x128xf32, #tpu.memory_space<hbm>>
    %dma_start3A_179 = tpu.memref_squeeze %dma_start3A_178 : memref<1x128x128xf32, #tpu.memory_space<hbm>> -> memref<128x128xf32, #tpu.memory_space<hbm>>
    tpu.enqueue_dma source(%arg12 : memref<128x128xf32, #tpu.memory_space<vmem>>) target(%dma_start3A_179 : memref<128x128xf32, #tpu.memory_space<hbm>>) target_semaphore(%arg30 : memref<!tpu.dma_semaphore, #tpu.memory_space<semaphore_mem>>)
    %dma_wait3A_180 = arith.constant 512 : i32
    %dma_wait3A_181 = tpu.memref_slice %arg7[%dma_wait3A_180] : memref<1024xi32, #tpu.memory_space<vmem>> -> memref<128xi32, #tpu.memory_space<vmem>>
    %dma_wait3A_182 = arith.constant 0 : i32
    %dma_wait3A_183 = arith.constant 0 : i32
    %dma_wait3A_184 = tpu.memref_slice %arg4[%dma_wait3A_182, %dma_wait3A_183] : memref<100000x128xf32, #tpu.memory_space<hbm>> -> memref<100000x128xf32, #tpu.memory_space<hbm>>
    tpu.wait_indirect_dma semaphore(%arg19 : memref<!tpu.dma_semaphore, #tpu.memory_space<semaphore_mem>>) src(%dma_wait3A_184 : memref<100000x128xf32, #tpu.memory_space<hbm>>) dst(%arg13 : memref<128x128xf32, #tpu.memory_space<vmem>>)
    %dma_start3A_185 = arith.constant 512 : i32
    %dma_start3A_186 = tpu.memref_slice %arg8[%dma_start3A_185] : memref<1024xi32, #tpu.memory_space<vmem>> -> memref<128xi32, #tpu.memory_space<vmem>>
    %dma_start3A_187 = arith.constant 0 : i32
    %dma_start3A_188 = arith.constant 0 : i32
    %dma_start3A_189 = tpu.memref_slice %arg5[%dma_start3A_187, %dma_start3A_188] : memref<8192x128xf32, #tpu.memory_space<hbm>> -> memref<8192x128xf32, #tpu.memory_space<hbm>>
    tpu.enqueue_indirect_dma source(%dma_start3A_189 : memref<8192x128xf32, #tpu.memory_space<hbm>>) target(%arg13 : memref<128x128xf32, #tpu.memory_space<vmem>>) offsets(%dma_start3A_186 : memref<128xi32, #tpu.memory_space<vmem>>) semaphore(%arg25 : memref<!tpu.dma_semaphore, #tpu.memory_space<semaphore_mem>>) {add = true}
    %dma_wait3A_190 = arith.constant 0 : i32
    %dma_wait3A_191 = tpu.memref_slice %arg6[%select_n3A, %add3A_111, %dma_wait3A_190] : memref<4x8192x128xf32, #tpu.memory_space<hbm>> -> memref<1x128x128xf32, #tpu.memory_space<hbm>>
    %dma_wait3A_192 = tpu.memref_squeeze %dma_wait3A_191 : memref<1x128x128xf32, #tpu.memory_space<hbm>> -> memref<128x128xf32, #tpu.memory_space<hbm>>
    %dma_wait3A_193 = arith.constant 0 : i32
    %dma_wait3A_194 = tpu.memref_slice %arg6[%select_n3A, %add3A_111, %dma_wait3A_193] : memref<4x8192x128xf32, #tpu.memory_space<hbm>> -> memref<1x128x128xf32, #tpu.memory_space<hbm>>
    %dma_wait3A_195 = tpu.memref_squeeze %dma_wait3A_194 : memref<1x128x128xf32, #tpu.memory_space<hbm>> -> memref<128x128xf32, #tpu.memory_space<hbm>>
    tpu.wait_dma2 semaphore(%arg28 : memref<!tpu.dma_semaphore, #tpu.memory_space<semaphore_mem>>) src(%arg10 : memref<128x128xf32, #tpu.memory_space<vmem>>) dst(%dma_wait3A_195 : memref<128x128xf32, #tpu.memory_space<hbm>>)
    %dma_start3A_196 = arith.constant 896 : i32
    %dma_start3A_197 = tpu.memref_slice %arg7[%dma_start3A_196] : memref<1024xi32, #tpu.memory_space<vmem>> -> memref<128xi32, #tpu.memory_space<vmem>>
    %dma_start3A_198 = arith.constant 0 : i32
    %dma_start3A_199 = arith.constant 0 : i32
    %dma_start3A_200 = tpu.memref_slice %arg4[%dma_start3A_198, %dma_start3A_199] : memref<100000x128xf32, #tpu.memory_space<hbm>> -> memref<100000x128xf32, #tpu.memory_space<hbm>>
    tpu.enqueue_indirect_dma source(%dma_start3A_200 : memref<100000x128xf32, #tpu.memory_space<hbm>>) target(%arg10 : memref<128x128xf32, #tpu.memory_space<vmem>>) offsets(%dma_start3A_197 : memref<128xi32, #tpu.memory_space<vmem>>) semaphore(%arg16 : memref<!tpu.dma_semaphore, #tpu.memory_space<semaphore_mem>>)
    %dma_wait3A_201 = arith.constant 512 : i32
    %dma_wait3A_202 = tpu.memref_slice %arg8[%dma_wait3A_201] : memref<1024xi32, #tpu.memory_space<vmem>> -> memref<128xi32, #tpu.memory_space<vmem>>
    %dma_wait3A_203 = arith.constant 0 : i32
    %dma_wait3A_204 = arith.constant 0 : i32
    %dma_wait3A_205 = tpu.memref_slice %arg5[%dma_wait3A_203, %dma_wait3A_204] : memref<8192x128xf32, #tpu.memory_space<hbm>> -> memref<8192x128xf32, #tpu.memory_space<hbm>>
    tpu.wait_indirect_dma semaphore(%arg25 : memref<!tpu.dma_semaphore, #tpu.memory_space<semaphore_mem>>) src(%dma_wait3A_205 : memref<8192x128xf32, #tpu.memory_space<hbm>>) dst(%arg13 : memref<128x128xf32, #tpu.memory_space<vmem>>)
    %add3A_206 = arith.constant 512 : i32
    %add3A_207 = arith.addi %mul3A_32, %add3A_206 : i32
    %dma_start3A_208 = arith.constant 0 : i32
    %dma_start3A_209 = tpu.memref_slice %arg6[%select_n3A, %add3A_207, %dma_start3A_208] : memref<4x8192x128xf32, #tpu.memory_space<hbm>> -> memref<1x128x128xf32, #tpu.memory_space<hbm>>
    %dma_start3A_210 = tpu.memref_squeeze %dma_start3A_209 : memref<1x128x128xf32, #tpu.memory_space<hbm>> -> memref<128x128xf32, #tpu.memory_space<hbm>>
    %dma_start3A_211 = arith.constant 0 : i32
    %dma_start3A_212 = tpu.memref_slice %arg6[%select_n3A, %add3A_207, %dma_start3A_211] : memref<4x8192x128xf32, #tpu.memory_space<hbm>> -> memref<1x128x128xf32, #tpu.memory_space<hbm>>
    %dma_start3A_213 = tpu.memref_squeeze %dma_start3A_212 : memref<1x128x128xf32, #tpu.memory_space<hbm>> -> memref<128x128xf32, #tpu.memory_space<hbm>>
    tpu.enqueue_dma source(%arg13 : memref<128x128xf32, #tpu.memory_space<vmem>>) target(%dma_start3A_213 : memref<128x128xf32, #tpu.memory_space<hbm>>) target_semaphore(%arg31 : memref<!tpu.dma_semaphore, #tpu.memory_space<semaphore_mem>>)
    %dma_wait3A_214 = arith.constant 640 : i32
    %dma_wait3A_215 = tpu.memref_slice %arg7[%dma_wait3A_214] : memref<1024xi32, #tpu.memory_space<vmem>> -> memref<128xi32, #tpu.memory_space<vmem>>
    %dma_wait3A_216 = arith.constant 0 : i32
    %dma_wait3A_217 = arith.constant 0 : i32
    %dma_wait3A_218 = tpu.memref_slice %arg4[%dma_wait3A_216, %dma_wait3A_217] : memref<100000x128xf32, #tpu.memory_space<hbm>> -> memref<100000x128xf32, #tpu.memory_space<hbm>>
    tpu.wait_indirect_dma semaphore(%arg20 : memref<!tpu.dma_semaphore, #tpu.memory_space<semaphore_mem>>) src(%dma_wait3A_218 : memref<100000x128xf32, #tpu.memory_space<hbm>>) dst(%arg14 : memref<128x128xf32, #tpu.memory_space<vmem>>)
    %dma_start3A_219 = arith.constant 640 : i32
    %dma_start3A_220 = tpu.memref_slice %arg8[%dma_start3A_219] : memref<1024xi32, #tpu.memory_space<vmem>> -> memref<128xi32, #tpu.memory_space<vmem>>
    %dma_start3A_221 = arith.constant 0 : i32
    %dma_start3A_222 = arith.constant 0 : i32
    %dma_start3A_223 = tpu.memref_slice %arg5[%dma_start3A_221, %dma_start3A_222] : memref<8192x128xf32, #tpu.memory_space<hbm>> -> memref<8192x128xf32, #tpu.memory_space<hbm>>
    tpu.enqueue_indirect_dma source(%dma_start3A_223 : memref<8192x128xf32, #tpu.memory_space<hbm>>) target(%arg14 : memref<128x128xf32, #tpu.memory_space<vmem>>) offsets(%dma_start3A_220 : memref<128xi32, #tpu.memory_space<vmem>>) semaphore(%arg26 : memref<!tpu.dma_semaphore, #tpu.memory_space<semaphore_mem>>) {add = true}
    %dma_wait3A_224 = arith.constant 640 : i32
    %dma_wait3A_225 = tpu.memref_slice %arg8[%dma_wait3A_224] : memref<1024xi32, #tpu.memory_space<vmem>> -> memref<128xi32, #tpu.memory_space<vmem>>
    %dma_wait3A_226 = arith.constant 0 : i32
    %dma_wait3A_227 = arith.constant 0 : i32
    %dma_wait3A_228 = tpu.memref_slice %arg5[%dma_wait3A_226, %dma_wait3A_227] : memref<8192x128xf32, #tpu.memory_space<hbm>> -> memref<8192x128xf32, #tpu.memory_space<hbm>>
    tpu.wait_indirect_dma semaphore(%arg26 : memref<!tpu.dma_semaphore, #tpu.memory_space<semaphore_mem>>) src(%dma_wait3A_228 : memref<8192x128xf32, #tpu.memory_space<hbm>>) dst(%arg14 : memref<128x128xf32, #tpu.memory_space<vmem>>)
    %add3A_229 = arith.constant 640 : i32
    %add3A_230 = arith.addi %mul3A_32, %add3A_229 : i32
    %dma_start3A_231 = arith.constant 0 : i32
    %dma_start3A_232 = tpu.memref_slice %arg6[%select_n3A, %add3A_230, %dma_start3A_231] : memref<4x8192x128xf32, #tpu.memory_space<hbm>> -> memref<1x128x128xf32, #tpu.memory_space<hbm>>
    %dma_start3A_233 = tpu.memref_squeeze %dma_start3A_232 : memref<1x128x128xf32, #tpu.memory_space<hbm>> -> memref<128x128xf32, #tpu.memory_space<hbm>>
    %dma_start3A_234 = arith.constant 0 : i32
    %dma_start3A_235 = tpu.memref_slice %arg6[%select_n3A, %add3A_230, %dma_start3A_234] : memref<4x8192x128xf32, #tpu.memory_space<hbm>> -> memref<1x128x128xf32, #tpu.memory_space<hbm>>
    %dma_start3A_236 = tpu.memref_squeeze %dma_start3A_235 : memref<1x128x128xf32, #tpu.memory_space<hbm>> -> memref<128x128xf32, #tpu.memory_space<hbm>>
    tpu.enqueue_dma source(%arg14 : memref<128x128xf32, #tpu.memory_space<vmem>>) target(%dma_start3A_236 : memref<128x128xf32, #tpu.memory_space<hbm>>) target_semaphore(%arg32 : memref<!tpu.dma_semaphore, #tpu.memory_space<semaphore_mem>>)
    %dma_wait3A_237 = arith.constant 768 : i32
    %dma_wait3A_238 = tpu.memref_slice %arg7[%dma_wait3A_237] : memref<1024xi32, #tpu.memory_space<vmem>> -> memref<128xi32, #tpu.memory_space<vmem>>
    %dma_wait3A_239 = arith.constant 0 : i32
    %dma_wait3A_240 = arith.constant 0 : i32
    %dma_wait3A_241 = tpu.memref_slice %arg4[%dma_wait3A_239, %dma_wait3A_240] : memref<100000x128xf32, #tpu.memory_space<hbm>> -> memref<100000x128xf32, #tpu.memory_space<hbm>>
    tpu.wait_indirect_dma semaphore(%arg15 : memref<!tpu.dma_semaphore, #tpu.memory_space<semaphore_mem>>) src(%dma_wait3A_241 : memref<100000x128xf32, #tpu.memory_space<hbm>>) dst(%arg9 : memref<128x128xf32, #tpu.memory_space<vmem>>)
    %dma_start3A_242 = arith.constant 768 : i32
    %dma_start3A_243 = tpu.memref_slice %arg8[%dma_start3A_242] : memref<1024xi32, #tpu.memory_space<vmem>> -> memref<128xi32, #tpu.memory_space<vmem>>
    %dma_start3A_244 = arith.constant 0 : i32
    %dma_start3A_245 = arith.constant 0 : i32
    %dma_start3A_246 = tpu.memref_slice %arg5[%dma_start3A_244, %dma_start3A_245] : memref<8192x128xf32, #tpu.memory_space<hbm>> -> memref<8192x128xf32, #tpu.memory_space<hbm>>
    tpu.enqueue_indirect_dma source(%dma_start3A_246 : memref<8192x128xf32, #tpu.memory_space<hbm>>) target(%arg9 : memref<128x128xf32, #tpu.memory_space<vmem>>) offsets(%dma_start3A_243 : memref<128xi32, #tpu.memory_space<vmem>>) semaphore(%arg21 : memref<!tpu.dma_semaphore, #tpu.memory_space<semaphore_mem>>) {add = true}
    %dma_wait3A_247 = arith.constant 768 : i32
    %dma_wait3A_248 = tpu.memref_slice %arg8[%dma_wait3A_247] : memref<1024xi32, #tpu.memory_space<vmem>> -> memref<128xi32, #tpu.memory_space<vmem>>
    %dma_wait3A_249 = arith.constant 0 : i32
    %dma_wait3A_250 = arith.constant 0 : i32
    %dma_wait3A_251 = tpu.memref_slice %arg5[%dma_wait3A_249, %dma_wait3A_250] : memref<8192x128xf32, #tpu.memory_space<hbm>> -> memref<8192x128xf32, #tpu.memory_space<hbm>>
    tpu.wait_indirect_dma semaphore(%arg21 : memref<!tpu.dma_semaphore, #tpu.memory_space<semaphore_mem>>) src(%dma_wait3A_251 : memref<8192x128xf32, #tpu.memory_space<hbm>>) dst(%arg9 : memref<128x128xf32, #tpu.memory_space<vmem>>)
    %add3A_252 = arith.constant 768 : i32
    %add3A_253 = arith.addi %mul3A_32, %add3A_252 : i32
    %dma_start3A_254 = arith.constant 0 : i32
    %dma_start3A_255 = tpu.memref_slice %arg6[%select_n3A, %add3A_253, %dma_start3A_254] : memref<4x8192x128xf32, #tpu.memory_space<hbm>> -> memref<1x128x128xf32, #tpu.memory_space<hbm>>
    %dma_start3A_256 = tpu.memref_squeeze %dma_start3A_255 : memref<1x128x128xf32, #tpu.memory_space<hbm>> -> memref<128x128xf32, #tpu.memory_space<hbm>>
    %dma_start3A_257 = arith.constant 0 : i32
    %dma_start3A_258 = tpu.memref_slice %arg6[%select_n3A, %add3A_253, %dma_start3A_257] : memref<4x8192x128xf32, #tpu.memory_space<hbm>> -> memref<1x128x128xf32, #tpu.memory_space<hbm>>
    %dma_start3A_259 = tpu.memref_squeeze %dma_start3A_258 : memref<1x128x128xf32, #tpu.memory_space<hbm>> -> memref<128x128xf32, #tpu.memory_space<hbm>>
    tpu.enqueue_dma source(%arg9 : memref<128x128xf32, #tpu.memory_space<vmem>>) target(%dma_start3A_259 : memref<128x128xf32, #tpu.memory_space<hbm>>) target_semaphore(%arg27 : memref<!tpu.dma_semaphore, #tpu.memory_space<semaphore_mem>>)
    %dma_wait3A_260 = arith.constant 896 : i32
    %dma_wait3A_261 = tpu.memref_slice %arg7[%dma_wait3A_260] : memref<1024xi32, #tpu.memory_space<vmem>> -> memref<128xi32, #tpu.memory_space<vmem>>
    %dma_wait3A_262 = arith.constant 0 : i32
    %dma_wait3A_263 = arith.constant 0 : i32
    %dma_wait3A_264 = tpu.memref_slice %arg4[%dma_wait3A_262, %dma_wait3A_263] : memref<100000x128xf32, #tpu.memory_space<hbm>> -> memref<100000x128xf32, #tpu.memory_space<hbm>>
    tpu.wait_indirect_dma semaphore(%arg16 : memref<!tpu.dma_semaphore, #tpu.memory_space<semaphore_mem>>) src(%dma_wait3A_264 : memref<100000x128xf32, #tpu.memory_space<hbm>>) dst(%arg10 : memref<128x128xf32, #tpu.memory_space<vmem>>)
    %dma_start3A_265 = arith.constant 896 : i32
    %dma_start3A_266 = tpu.memref_slice %arg8[%dma_start3A_265] : memref<1024xi32, #tpu.memory_space<vmem>> -> memref<128xi32, #tpu.memory_space<vmem>>
    %dma_start3A_267 = arith.constant 0 : i32
    %dma_start3A_268 = arith.constant 0 : i32
    %dma_start3A_269 = tpu.memref_slice %arg5[%dma_start3A_267, %dma_start3A_268] : memref<8192x128xf32, #tpu.memory_space<hbm>> -> memref<8192x128xf32, #tpu.memory_space<hbm>>
    tpu.enqueue_indirect_dma source(%dma_start3A_269 : memref<8192x128xf32, #tpu.memory_space<hbm>>) target(%arg10 : memref<128x128xf32, #tpu.memory_space<vmem>>) offsets(%dma_start3A_266 : memref<128xi32, #tpu.memory_space<vmem>>) semaphore(%arg22 : memref<!tpu.dma_semaphore, #tpu.memory_space<semaphore_mem>>) {add = true}
    %dma_wait3A_270 = arith.constant 896 : i32
    %dma_wait3A_271 = tpu.memref_slice %arg8[%dma_wait3A_270] : memref<1024xi32, #tpu.memory_space<vmem>> -> memref<128xi32, #tpu.memory_space<vmem>>
    %dma_wait3A_272 = arith.constant 0 : i32
    %dma_wait3A_273 = arith.constant 0 : i32
    %dma_wait3A_274 = tpu.memref_slice %arg5[%dma_wait3A_272, %dma_wait3A_273] : memref<8192x128xf32, #tpu.memory_space<hbm>> -> memref<8192x128xf32, #tpu.memory_space<hbm>>
    tpu.wait_indirect_dma semaphore(%arg22 : memref<!tpu.dma_semaphore, #tpu.memory_space<semaphore_mem>>) src(%dma_wait3A_274 : memref<8192x128xf32, #tpu.memory_space<hbm>>) dst(%arg10 : memref<128x128xf32, #tpu.memory_space<vmem>>)
    %add3A_275 = arith.constant 896 : i32
    %add3A_276 = arith.addi %mul3A_32, %add3A_275 : i32
    %dma_start3A_277 = arith.constant 0 : i32
    %dma_start3A_278 = tpu.memref_slice %arg6[%select_n3A, %add3A_276, %dma_start3A_277] : memref<4x8192x128xf32, #tpu.memory_space<hbm>> -> memref<1x128x128xf32, #tpu.memory_space<hbm>>
    %dma_start3A_279 = tpu.memref_squeeze %dma_start3A_278 : memref<1x128x128xf32, #tpu.memory_space<hbm>> -> memref<128x128xf32, #tpu.memory_space<hbm>>
    %dma_start3A_280 = arith.constant 0 : i32
    %dma_start3A_281 = tpu.memref_slice %arg6[%select_n3A, %add3A_276, %dma_start3A_280] : memref<4x8192x128xf32, #tpu.memory_space<hbm>> -> memref<1x128x128xf32, #tpu.memory_space<hbm>>
    %dma_start3A_282 = tpu.memref_squeeze %dma_start3A_281 : memref<1x128x128xf32, #tpu.memory_space<hbm>> -> memref<128x128xf32, #tpu.memory_space<hbm>>
    tpu.enqueue_dma source(%arg10 : memref<128x128xf32, #tpu.memory_space<vmem>>) target(%dma_start3A_282 : memref<128x128xf32, #tpu.memory_space<hbm>>) target_semaphore(%arg28 : memref<!tpu.dma_semaphore, #tpu.memory_space<semaphore_mem>>)
    %dma_wait3A_283 = arith.constant 0 : i32
    %dma_wait3A_284 = tpu.memref_slice %arg6[%select_n3A, %add3A_139, %dma_wait3A_283] : memref<4x8192x128xf32, #tpu.memory_space<hbm>> -> memref<1x128x128xf32, #tpu.memory_space<hbm>>
    %dma_wait3A_285 = tpu.memref_squeeze %dma_wait3A_284 : memref<1x128x128xf32, #tpu.memory_space<hbm>> -> memref<128x128xf32, #tpu.memory_space<hbm>>
    %dma_wait3A_286 = arith.constant 0 : i32
    %dma_wait3A_287 = tpu.memref_slice %arg6[%select_n3A, %add3A_139, %dma_wait3A_286] : memref<4x8192x128xf32, #tpu.memory_space<hbm>> -> memref<1x128x128xf32, #tpu.memory_space<hbm>>
    %dma_wait3A_288 = tpu.memref_squeeze %dma_wait3A_287 : memref<1x128x128xf32, #tpu.memory_space<hbm>> -> memref<128x128xf32, #tpu.memory_space<hbm>>
    tpu.wait_dma2 semaphore(%arg29 : memref<!tpu.dma_semaphore, #tpu.memory_space<semaphore_mem>>) src(%arg11 : memref<128x128xf32, #tpu.memory_space<vmem>>) dst(%dma_wait3A_288 : memref<128x128xf32, #tpu.memory_space<hbm>>)
    %dma_wait3A_289 = arith.constant 0 : i32
    %dma_wait3A_290 = tpu.memref_slice %arg6[%select_n3A, %add3A_173, %dma_wait3A_289] : memref<4x8192x128xf32, #tpu.memory_space<hbm>> -> memref<1x128x128xf32, #tpu.memory_space<hbm>>
    %dma_wait3A_291 = tpu.memref_squeeze %dma_wait3A_290 : memref<1x128x128xf32, #tpu.memory_space<hbm>> -> memref<128x128xf32, #tpu.memory_space<hbm>>
    %dma_wait3A_292 = arith.constant 0 : i32
    %dma_wait3A_293 = tpu.memref_slice %arg6[%select_n3A, %add3A_173, %dma_wait3A_292] : memref<4x8192x128xf32, #tpu.memory_space<hbm>> -> memref<1x128x128xf32, #tpu.memory_space<hbm>>
    %dma_wait3A_294 = tpu.memref_squeeze %dma_wait3A_293 : memref<1x128x128xf32, #tpu.memory_space<hbm>> -> memref<128x128xf32, #tpu.memory_space<hbm>>
    tpu.wait_dma2 semaphore(%arg30 : memref<!tpu.dma_semaphore, #tpu.memory_space<semaphore_mem>>) src(%arg12 : memref<128x128xf32, #tpu.memory_space<vmem>>) dst(%dma_wait3A_294 : memref<128x128xf32, #tpu.memory_space<hbm>>)
    %dma_wait3A_295 = arith.constant 0 : i32
    %dma_wait3A_296 = tpu.memref_slice %arg6[%select_n3A, %add3A_207, %dma_wait3A_295] : memref<4x8192x128xf32, #tpu.memory_space<hbm>> -> memref<1x128x128xf32, #tpu.memory_space<hbm>>
    %dma_wait3A_297 = tpu.memref_squeeze %dma_wait3A_296 : memref<1x128x128xf32, #tpu.memory_space<hbm>> -> memref<128x128xf32, #tpu.memory_space<hbm>>
    %dma_wait3A_298 = arith.constant 0 : i32
    %dma_wait3A_299 = tpu.memref_slice %arg6[%select_n3A, %add3A_207, %dma_wait3A_298] : memref<4x8192x128xf32, #tpu.memory_space<hbm>> -> memref<1x128x128xf32, #tpu.memory_space<hbm>>
    %dma_wait3A_300 = tpu.memref_squeeze %dma_wait3A_299 : memref<1x128x128xf32, #tpu.memory_space<hbm>> -> memref<128x128xf32, #tpu.memory_space<hbm>>
    tpu.wait_dma2 semaphore(%arg31 : memref<!tpu.dma_semaphore, #tpu.memory_space<semaphore_mem>>) src(%arg13 : memref<128x128xf32, #tpu.memory_space<vmem>>) dst(%dma_wait3A_300 : memref<128x128xf32, #tpu.memory_space<hbm>>)
    %dma_wait3A_301 = arith.constant 0 : i32
    %dma_wait3A_302 = tpu.memref_slice %arg6[%select_n3A, %add3A_230, %dma_wait3A_301] : memref<4x8192x128xf32, #tpu.memory_space<hbm>> -> memref<1x128x128xf32, #tpu.memory_space<hbm>>
    %dma_wait3A_303 = tpu.memref_squeeze %dma_wait3A_302 : memref<1x128x128xf32, #tpu.memory_space<hbm>> -> memref<128x128xf32, #tpu.memory_space<hbm>>
    %dma_wait3A_304 = arith.constant 0 : i32
    %dma_wait3A_305 = tpu.memref_slice %arg6[%select_n3A, %add3A_230, %dma_wait3A_304] : memref<4x8192x128xf32, #tpu.memory_space<hbm>> -> memref<1x128x128xf32, #tpu.memory_space<hbm>>
    %dma_wait3A_306 = tpu.memref_squeeze %dma_wait3A_305 : memref<1x128x128xf32, #tpu.memory_space<hbm>> -> memref<128x128xf32, #tpu.memory_space<hbm>>
    tpu.wait_dma2 semaphore(%arg32 : memref<!tpu.dma_semaphore, #tpu.memory_space<semaphore_mem>>) src(%arg14 : memref<128x128xf32, #tpu.memory_space<vmem>>) dst(%dma_wait3A_306 : memref<128x128xf32, #tpu.memory_space<hbm>>)
    %dma_wait3A_307 = arith.constant 0 : i32
    %dma_wait3A_308 = tpu.memref_slice %arg6[%select_n3A, %add3A_253, %dma_wait3A_307] : memref<4x8192x128xf32, #tpu.memory_space<hbm>> -> memref<1x128x128xf32, #tpu.memory_space<hbm>>
    %dma_wait3A_309 = tpu.memref_squeeze %dma_wait3A_308 : memref<1x128x128xf32, #tpu.memory_space<hbm>> -> memref<128x128xf32, #tpu.memory_space<hbm>>
    %dma_wait3A_310 = arith.constant 0 : i32
    %dma_wait3A_311 = tpu.memref_slice %arg6[%select_n3A, %add3A_253, %dma_wait3A_310] : memref<4x8192x128xf32, #tpu.memory_space<hbm>> -> memref<1x128x128xf32, #tpu.memory_space<hbm>>
    %dma_wait3A_312 = tpu.memref_squeeze %dma_wait3A_311 : memref<1x128x128xf32, #tpu.memory_space<hbm>> -> memref<128x128xf32, #tpu.memory_space<hbm>>
    tpu.wait_dma2 semaphore(%arg27 : memref<!tpu.dma_semaphore, #tpu.memory_space<semaphore_mem>>) src(%arg9 : memref<128x128xf32, #tpu.memory_space<vmem>>) dst(%dma_wait3A_312 : memref<128x128xf32, #tpu.memory_space<hbm>>)
    %dma_wait3A_313 = arith.constant 0 : i32
    %dma_wait3A_314 = tpu.memref_slice %arg6[%select_n3A, %add3A_276, %dma_wait3A_313] : memref<4x8192x128xf32, #tpu.memory_space<hbm>> -> memref<1x128x128xf32, #tpu.memory_space<hbm>>
    %dma_wait3A_315 = tpu.memref_squeeze %dma_wait3A_314 : memref<1x128x128xf32, #tpu.memory_space<hbm>> -> memref<128x128xf32, #tpu.memory_space<hbm>>
    %dma_wait3A_316 = arith.constant 0 : i32
    %dma_wait3A_317 = tpu.memref_slice %arg6[%select_n3A, %add3A_276, %dma_wait3A_316] : memref<4x8192x128xf32, #tpu.memory_space<hbm>> -> memref<1x128x128xf32, #tpu.memory_space<hbm>>
    %dma_wait3A_318 = tpu.memref_squeeze %dma_wait3A_317 : memref<1x128x128xf32, #tpu.memory_space<hbm>> -> memref<128x128xf32, #tpu.memory_space<hbm>>
    tpu.wait_dma2 semaphore(%arg28 : memref<!tpu.dma_semaphore, #tpu.memory_space<semaphore_mem>>) src(%arg10 : memref<128x128xf32, #tpu.memory_space<vmem>>) dst(%dma_wait3A_318 : memref<128x128xf32, #tpu.memory_space<hbm>>)
    return
  }
}

</mosaic_0001>

<sc_bundles>
// kernel: kernel.3.cloned.1.call-start
scs
__scs_entry_jumppad:
0x0: {  	(pc) =	sbr.rel $0x88, $3  }
0x1: {  	(tag) =	ssettag $0x0;
	lr =	simm.s32 $0x1  }
0x2: {  	[smem:$0x3F9D] =	sst lr;
	_ =	strace $0xD0000000  }
0x3: {  	_ = 	snop  }
0x4: {  	_ = 	snop  }
0x5: {  	_ = 	snop  }
0x6: {  	_ = 	snop  }
0x7: {  	_ = 	snop  }
__scs_overlays_trampoline_lowered:
0x8: {  	[smem:$0x3FAC] =	sst s0  }
0x9: {  	[smem:$0x3FAD] =	sst s1  }
0xa: {  	[smem:$0x3FAE] =	sst s2  }
0xb: {  	[smem:$0x3FAF] =	sst s3  }
0xc: {  	[smem:$0x3FB0] =	sst s4  }
0xd: {  	[smem:$0x3FB1] =	sst s5  }
0xe: {  	[smem:$0x3FB2] =	sst s6  }
0xf: {  	[smem:$0x3FB3] =	sst s7  }
0x10: {  	[smem:$0x3FB4] =	sst s8  }
0x11: {  	[smem:$0x3FB5] =	sst s9;
	s0 =	simm.s32 @!p0 $0x0  }
0x12: {  	s1 =	sld [smem:$0x3F9B];
	s0 =	simm.s32 @p0 $0x1  }
0x13: {  	[smem:$0x3FB6] =	sst s0;
	s0 =	simm.s32 @!p1 $0x0  }
0x14: {  	s2 =	sld [smem:$0x3F9A];
	s0 =	simm.s32 @p1 $0x1  }
0x15: {  	[smem:$0x3FB7] =	sst s0;
	s0 =	simm.s32 @!p2 $0x0  }
0x16: {  	s3 =	sld [smem:$0x3FDB];
	s0 =	simm.s32 @p2 $0x1  }
0x17: {  	s4 =	simm.s32 $0x1BF5;
	[smem:$0x3FB9] =	sst s0  }
0x18: {  	s0 =	sld [smem:$0x3F9C];
	_ =	swait.ge [sflag:s4], $0x0  }
0x19: {  	s7 =	sld [smem:$0x3F9D]  }
0x1a: {  	s8 =	sadd.s32 $0xFFFFE003, lr  }
0x1b: {  	s9 =	sadd.s32 $0xFFFFFEF7, lr;
	s5 =	simm.s32 $0xFFFFFFFF;
	p2 =	slt.u32 s8, $0xFFFFF086  }
0x1c: {  	p1 =	slt.u32 s9, $0xF7A;
	s5 =	simm.s32 @!p2 $0x0  }
0x1d: {  	s5 =	simm.s32 @p1 $0x1;
	p0 =	seq.s32 s7, s2  }
0x1e: {  	s7 =	smul.u32 @!p0 $0xF7A, s2;
	p2 =	seq.s32 @!p0 s5, $0x0  }
0x1f: {  	s9 =	smul.u32 $0xF7A, s1;
	s8 =	simm.s32 @!p0 $0x1BF5;
	p2 =	por !p2, p0  }
0x20: {  	[sflag:s8] =	ssyncset.s32 @!p0 $0xFFFFF086;
	s6 =	sadd.s32 @!p0 s3, s7;
	s7 =	simm.s32 @!p0 $0x108  }
0x21: {  	s3 =	sadd.s32 s3, s9;
	s6 =	sadd.s32 @!p0 $0x88, s6;
	s7 =	simm.s32 @p2 $0x1082  }
0x22: {  	[simem:s7], [sflag:s8] =	dma.local @!p0 [hbm:s6], $0xF7A  }
0x23: {  	s9 =	sor.u32 $0xD0000000, s2;
	s6 =	simm.s32 $0x108;
	_ =	swait.ge @!p0 [sflag:s8], $0x0  }
0x24: {  	s3 =	sadd.s32 $0x88, s3;
	s6 =	simm.s32 @!p1 $0x1082;
	[sflag:s4] =	ssyncset.s32 $0xFFFFF086  }
0x25: {  	[simem:s6], [sflag:s4] =	dma.local [hbm:s3], $0xF7A  }
0x26: {  	[smem:$0x3F9D] =	sst s1;
	(tag) =	ssettag s2;
	_ =	strace s9  }
0x27: {  	s1 =	sld [smem:$0x3FAD]  }
0x28: {  	s2 =	sld [smem:$0x3FAE]  }
0x29: {  	s4 =	sld [smem:$0x3FB0]  }
0x2a: {  	p0 =	seq.s32 s5, $0x0;
	s5 =	sld [smem:$0x3FB1]  }
0x2b: {  	s6 =	sld [smem:$0x3FB2]  }
0x2c: {  	s7 =	sld [smem:$0x3FB3]  }
0x2d: {  	s3 =	simm.s32 $0x108;
	s8 =	sld [smem:$0x3FB4]  }
0x2e: {  	s3 =	simm.s32 @!p0 $0x1082;
	s9 =	sld [smem:$0x3FB5]  }
0x2f: {  	lr =	sadd.s32 s0, s3;
	s0 =	sld [smem:$0x3FAC]  }
0x30: {  	s3 =	sld [smem:$0x3FAF]  }
0x31: {  	[smem:$0x3FB8] =	sst s10  }
0x32: {  	s10 =	sld [smem:$0x3FB6];
	_ =	sdelay $0x3  }
0x33: {  	p0 =	seq.s32 s10, $0x1;
	s10 =	sld [smem:$0x3FB8];
	_ =	sdelay $0x3  }
0x34: {  	[smem:$0x3FB8] =	sst s10  }
0x35: {  	s10 =	sld [smem:$0x3FB7];
	_ =	sdelay $0x3  }
0x36: {  	p1 =	seq.s32 s10, $0x1;
	s10 =	sld [smem:$0x3FB8];
	_ =	sdelay $0x3  }
0x37: {  	[smem:$0x3FB8] =	sst s10  }
0x38: {  	s10 =	sld [smem:$0x3FB9]  }
0x39: {  	_ = 	snop;
	(pc) =	sbr.ind lr, $3  }
0x3a: {  	_ = 	snop  }
0x3b: {  	_ = 	snop  }
0x3c: {  	p2 =	seq.s32 s10, $0x1;
	s10 =	sld [smem:$0x3FB8]  }
0x3d: {  	_ =	shalt  }
0x3e: {  	_ =	shalt  }
0x3f: {  	_ =	shalt  }
0x40: {  	_ =	shalt  }
0x41: {  	_ =	shalt  }
0x42: {  	_ =	shalt  }
0x43: {  	_ =	shalt  }
0x44: {  	_ =	shalt  }
0x45: {  	_ =	shalt  }
0x46: {  	_ =	shalt  }
0x47: {  	_ =	shalt  }
0x48: {  	_ =	shalt  }
0x49: {  	_ =	shalt  }
0x4a: {  	_ =	shalt  }
0x4b: {  	_ =	shalt  }
0x4c: {  	_ =	shalt  }
0x4d: {  	_ =	shalt  }
0x4e: {  	_ =	shalt  }
0x4f: {  	_ =	shalt  }
0x50: {  	_ =	shalt  }
0x51: {  	_ =	shalt  }
0x52: {  	_ =	shalt  }
0x53: {  	_ =	shalt  }
0x54: {  	_ =	shalt  }
0x55: {  	_ =	shalt  }
0x56: {  	_ =	shalt  }
0x57: {  	_ =	shalt  }
0x58: {  	_ =	shalt  }
0x59: {  	_ =	shalt  }
0x5a: {  	_ =	shalt  }
0x5b: {  	_ =	shalt  }
0x5c: {  	_ =	shalt  }
0x5d: {  	_ =	shalt  }
0x5e: {  	_ =	shalt  }
0x5f: {  	_ =	shalt  }
0x60: {  	_ =	shalt  }
0x61: {  	_ =	shalt  }
0x62: {  	_ =	shalt  }
0x63: {  	_ =	shalt  }
0x64: {  	_ =	shalt  }
0x65: {  	_ =	shalt  }
0x66: {  	_ =	shalt  }
0x67: {  	_ =	shalt  }
0x68: {  	_ =	shalt  }
0x69: {  	_ =	shalt  }
0x6a: {  	_ =	shalt  }
0x6b: {  	_ =	shalt  }
0x6c: {  	_ =	shalt  }
0x6d: {  	_ =	shalt  }
0x6e: {  	_ =	shalt  }
0x6f: {  	_ =	shalt  }
0x70: {  	_ =	shalt  }
0x71: {  	_ =	shalt  }
0x72: {  	_ =	shalt  }
0x73: {  	_ =	shalt  }
0x74: {  	_ =	shalt  }
0x75: {  	_ =	shalt  }
0x76: {  	_ =	shalt  }
0x77: {  	_ =	shalt  }
0x78: {  	_ =	shalt  }
0x79: {  	_ =	shalt  }
0x7a: {  	_ =	shalt  }
0x7b: {  	_ =	shalt  }
0x7c: {  	_ =	shalt  }
0x7d: {  	_ =	shalt  }
0x7e: {  	_ =	shalt  }
0x7f: {  	_ =	shalt  }
0x80: {  	_ =	shalt  }
0x81: {  	_ =	shalt  }
0x82: {  	_ =	shalt  }
0x83: {  	_ =	shalt  }
0x84: {  	_ =	shalt  }
0x85: {  	_ =	shalt  }
0x86: {  	_ =	shalt  }
0x87: {  	_ =	shalt  }
.Lfunc_end0:
.L_simem_size_0:
called_computation_lowered:
.L_overlay_start_0:
0x88: {  	s2 =	sld [smem:$0x3FD9]  }
0x89: {  	s3 =	sld [smem:$0x3FFE];
	_ =	sdelay $0x1  }
0x8a: {  	s1 =	srdreg.scid  }
0x8b: {  	s0 =	sand.u32 $0x1, s1  }
0x8c: {  	s18 =	sshll.u32 s0, $0xA;
	s2 =	sadd.s32 s3, s2  }
0x8d: {  	s2 =	sadd.s32 s2, s18  }
0x8e: {  	[smem:$0x3FC4] =	sst s2  }
0x8f: {  	_ = 	snop  }
0x90: {  	s2 =	sld [smem:$0x3FC9]  }
0x91: {  	s19 =	sld [smem:$0x3FC8]  }
0x92: {  	s4 =	sld [smem:$0x3FC7]  }
0x93: {  	s5 =	sld [smem:$0x3FC6]  }
0x94: {  	s6 =	sld [smem:$0x3FD0];
	(tm) =	ssettm $0x1  }
0x95: {  	s7 =	sld [smem:$0x3FFB];
	_ =	sdelay $0x3  }
0x96: {  	_ =	strace s7  }
0x97: {  	s7 =	sld [smem:$0x3FFC];
	_ =	sdelay $0x3  }
0x98: {  	_ =	strace s7  }
0x99: {  	s7 =	sld [smem:$0x3FFD];
	_ =	sdelay $0x3  }
0x9a: {  	_ =	strace s7  }
0x9b: {  	_ =	strace $0x8FFFFFFF  }
0x9c: {  	s20 =	sld [smem:$0x3FDB];
	_ =	sdelay $0x1  }
0x9d: {  	s8 =	simm.s32 $_scs_section_size  }
0x9e: {  	s9 =	simm.s32 $_size__tile_overlayer_lowered;
	s10 =	simm.s32 $_tile_overlayer_lowered  }
0x9f: {  	s23 =	simm.s32 $0x1BFF;
	s22 =	sshll.u32 s10, $0x1;
	s7 =	sadd.s32 s8, s20  }
0xa0: {  	s11 =	simm.s32 $0x0;
	s21 =	sshll.u32 s9, $0x1;
	s9 =	sadd.s32 s22, s7  }
0xa1: {  	[timem:s11], [sflag:s23] =	dma.local [hbm:s9], s21  }
0xa2: {  	_ =	swait.ge [sflag:s23], s21  }
0xa3: {  	s8 =	ssub.s32 $0x0, s21;
	[sflag:s23] =	ssyncset.done $0x0  }
0xa4: {  	[sflag:s23] =	ssyncadd.s32 s8;
	_ =	sdelay $0x1  }
0xa5: {  	s24 =	simm.s32 $0x1B8B  }
0xa6: {  	_ =	swait.ge [sflag:s24], $0x1  }
0xa7: {  	[sflag:s24] =	ssyncset.done $0x0  }
0xa8: {  	s25 =	simm.s32 $0x1B8E;
	[sflag:s24] =	ssyncadd.s32 $0xFFFFFFFF  }
0xa9: {  	s26 =	simm.s32 $execute0_lowered;
	[smem:$0x3FD2] =	sst s25  }
0xaa: {  	s8 =	sshll.u32 s26, $0x1;
	_ =	strace $0x80000046;
	[dreg:$0x1] =	wrdreg $0xFFFFFFFF  }
0xab: {  	s28 =	simm.s32 $_size_execute0_lowered;
	s7 =	sadd.s32 s7, s8;
	[dreg:$0x0] =	wrdreg $0x0  }
0xac: {  	s8 =	sshll.u32 s28, $0x1;
	[dreg:$0x2] =	wrdreg s7  }
0xad: {  	[dreg:$0x3] =	wrdreg s8  }
0xae: {  	[dreg:$0x4] =	wrdreg $0xC0  }
0xaf: {  	_ =	task [dreg:s11], $0x5FFFF  }
0xb0: {  	[dreg:$0x1] =	wrdreg $0xFFFFFFFF  }
0xb1: {  	[dreg:$0x0] =	wrdreg $0x60  }
0xb2: {  	[dreg:$0x2] =	wrdreg s2  }
0xb3: {  	[dreg:$0x3] =	wrdreg s19  }
0xb4: {  	[dreg:$0x4] =	wrdreg s4  }
0xb5: {  	[dreg:$0x5] =	wrdreg s5  }
0xb6: {  	[dreg:$0x6] =	wrdreg s6  }
0xb7: {  	[dreg:$0x7] =	wrdreg $0x9  }
0xb8: {  	_ =	task.clear_ibuf [dreg:s11], $0x8FFFF;
	_ =	strace $0x90000046  }
0xb9: {  	s29 =	simm.s32 $0x9;
	_ =	strace $0x80000048  }
0xba: {  	_ =	swait.ge [sflag:s29], $0x1  }
0xbb: {  	[sflag:s29] =	ssyncadd.s32 $0xFFFFFFFF  }
0xbc: {  	_ =	strace $0x90000048  }
0xbd: {  	_ =	sfence  }
0xbe: {  	s30 =	sld [smem:$0x0];
	_ =	sdelay $0x2  }
0xbf: {  	s31 =	sshll.u32 s1, $0xD;
	s1 =	sshrl.u32 s1, $0x2  }
0xc0: {  	s3 =	sand.u32 $0x4000, s31;
	s1 =	sadd.s32 s1, s30  }
0xc1: {  	s0 =	sor.u32 s3, s0;
	s1 =	sshll.u32 s1, $0x11  }
0xc2: {  	s0 =	sor.u32 s1, s0  }
0xc3: {  	s0 =	sadd.s32 $0x8F2B, s0  }
0xc4: {  	[sflag:s0] =	ssyncadd.remote.s32 $0x1  }
0xc5: {  	_ =	sfence.sel $0xFFFF  }
0xc6: {  	[dreg:$0x0] =	wrdreg $0xFFFFFFFF;
	(pc) =	sbr.abs _section_cstart, $3  }
0xc7: {  	[dreg:$0x1] =	wrdreg $0xFFFFFFFF  }
0xc8: {  	_ =	task.clear_ibuf [dreg:s11], $0x2FFFF;
	_ =	strace $0x9FFFFFFF  }
0xc9: {  	(tm) =	ssettm $0x7FFFFFFF  }
tec
execute0_lowered:
.L_overlay_start_1:
0x0: {  	(tag) =	ssettag $0x1  }
0x1: {  	s0 =	rddreg [dreg:$0x0]  }
0x2: {  	s1 =	rddreg [dreg:$0x1]  }
0x3: {  	s4 =	rddreg [dreg:$0x2]  }
0x4: {  	s2 =	rddreg [dreg:$0x3];
	s3 =	srdreg.scid  }
0x5: {  	s5 =	rddreg [dreg:$0x4];
	s7 =	sand.u32 $0x1, s3;
	s3 =	simm.s32 $0x0  }
0x6: {  	s16 =	stileid.u32;
	s15 =	simm.s32 $0x100;
	[smem:$0x7FF] =	sst s3  }
0x7: {  	s17 =	simm.s32 $0x180;
	_ =	strace $0x80000047;
	[dreg:$0xf] =	wrdreg s15  }
0x8: {  	s18 =	simm.s32 $0x480;
	s19 =	simm.s32 $0x500;
	[dreg:$0x10] =	wrdreg s17  }
0x9: {  	s20 =	simm.s32 $0x280;
	s21 =	simm.s32 $0x580;
	[dreg:$0x11] =	wrdreg s18  }
0xa: {  	s22 =	simm.s32 $0x300;
	s23 =	simm.s32 $0x600;
	[dreg:$0x12] =	wrdreg s19  }
0xb: {  	s24 =	simm.s32 $0x380;
	s25 =	simm.s32 $0x680;
	[dreg:$0x13] =	wrdreg s20  }
0xc: {  	p0 =	por $0x0, $0x0;
	s31 =	simm.s32 $0xB;
	[dreg:$0x14] =	wrdreg s21  }
0xd: {  	s28 =	simm.s32 $0x6;
	s6 =	sshll.u32 s16, $0x1;
	[dreg:$0x15] =	wrdreg s22  }
0xe: {  	s8 =	sshrl.u32 s16, $0x2;
	s6 =	sand.u32 $0x6, s6;
	[dreg:$0x16] =	wrdreg s23  }
0xf: {  	s10 =	sshll.u32 s8, $0x4;
	s8 =	sshll.u32 s8, $0x11;
	[dreg:$0x17] =	wrdreg s24  }
0x10: {  	s6 =	sor.u32 s7, s6;
	s24 =	simm.s32 $0x3;
	[dreg:$0x18] =	wrdreg s25  }
0x11: {  	s25 =	simm.s32 $0x9;
	s21 =	simm.s32 $0x4;
	s9 =	sshll.u32 s6, $0x9  }
0x12: {  	s20 =	simm.s32 $0xF;
	s19 =	simm.s32 $0x10;
	s9 =	sor.u32 s10, s9  }
0x13: {  	s18 =	simm.s32 $0x11;
	s6 =	sshll.u32 s6, $0xE;
	s0 =	sadd.s32 s0, s9  }
0x14: {  	s6 =	sor.u32 s8, s6;
	s26 =	sadd.s32 s1, s9;
	[dreg:$0x6] =	wrdreg s0  }
0x15: {  	s17 =	simm.s32 $0x12;
	s6 =	sadd.s32 s5, s6;
	[dreg:$0x7] =	wrdreg s26  }
0x16: {  	s9 =	ssub.s32 $0x2, s7;
	s29 =	sadd.s32 $0x800, s6;
	[dreg:$0x1b] =	wrdreg s6  }
0x17: {  	s7 =	simm.s32 $0x800;
	s1 =	sadd.s32 $0x1000, s6;
	[dreg:$0x8] =	wrdreg s29  }
0x18: {  	s5 =	sadd.s32 $0x1800, s6;
	s8 =	sadd.s32 $0x2000, s6;
	[dreg:$0x9] =	wrdreg s1  }
0x19: {  	s10 =	sadd.s32 $0x2800, s6;
	s11 =	sshrl.u32 s9, $0x1;
	[dreg:$0xa] =	wrdreg s5  }
0x1a: {  	s12 =	sadd.s32 $0x3000, s6;
	s13 =	sadd.s32 $0x3800, s6;
	[dreg:$0xb] =	wrdreg s8  }
0x1b: {  	s6 =	simm.s32 $0x4800;
	[dreg:$0xc] =	wrdreg s10;
	s1 =	ssub.s32 s9, s11  }
0x1c: {  	s26 =	simm.s32 $0x700;
	[dreg:$0xd] =	wrdreg s12;
	s14 =	smax.u32 s1, $0x1  }
0x1d: {  	s0 =	simm.s32 $0xA;
	[dreg:$0xe] =	wrdreg s13;
	p1 =	sne.s32 s14, $0x1  }
.Ltmp0:
0x1e: {  	s5 =	simm.s32 $0x80;
	s13 =	simm.s32 $0x1;
	(pc) =	sbr.rel @!p1 .LBB2_1-.Ltmp0, $4  }
0x1f: {  	s12 =	simm.s32 $0x7;
	s9 =	simm.s32 $0x2;
	s11 =	simm.s32 $0x8  }
0x20: {  	[dreg:$0x19] =	wrdreg s26;
	s29 =	simm.s32 $0x780;
	s8 =	simm.s32 $0xD  }
0x21: {  	s10 =	simm.s32 $0xE;
	s26 =	simm.s32 $0xC;
	s15 =	rddreg [dreg:$0x6]  }
0x22: {  	[dreg:$0x1a] =	wrdreg s29;
	s1 =	simm.s32 $0x5;
	s30 =	sadd.s32 $0xFFFFFFFF, s14  }
0x23: {  	s29 =	simm.s32 $0x200  }
0x24: {  	[tilespmem:s3], [sflag:$0x13] =	stream.strided.gather [hbm4b:s15+s5], $0x400, s29, s5, $0x38;
	[tilespmem:$0x18800] =	vst v63  }
0x25: {  	s14 =	rddreg [dreg:$0x7];
	s16 =	simm.s32 $0x400;
	s23 =	simm.s32 $0x13  }
0x26: {  	[tilespmem:s16], [sflag:$0x14] =	stream.strided.gather [hbm4b:s14+s5], $0x400, s29, s5, $0x38;
	[tilespmem:$0x18800] =	vst v63  }
0x27: {  	_ =	swait.ge [sflag:s23], $0x400  }
0x28: {  	[sflag:s23] =	ssyncset.done $0x0  }
0x29: {  	s15 =	simm.s32 $0x14;
	[sflag:s23] =	ssyncadd.s32 $0xFFFFFC00  }
0x2a: {  	_ =	swait.ge [sflag:s15], $0x400  }
0x2b: {  	[sflag:s15] =	ssyncset.done $0x0  }
0x2c: {  	[sflag:s15] =	ssyncadd.s32 $0xFFFFFC00  }
0x2d: {  	[tilespmem:s7], [sflag:$0x1] =	stream.indirect.gather [hbm4b:s4+s5], $0x80, s3, s5, $0xb8;
	[tilespmem:$0x18800] =	vst v63  }
0x2e: {  	_ = 	snop  }
0x2f: {  	[tilespmem:s6], [sflag:$0x2] =	stream.indirect.gather [hbm4b:s4+s5], $0x80, s5, s5, $0xb8;
	[tilespmem:$0x18800] =	vst v63  }
0x30: {  	s23 =	simm.s32 $0x8800;
	s22 =	rddreg [dreg:$0xf]  }
0x31: {  	[tilespmem:s23], [sflag:$0x3] =	stream.indirect.gather [hbm4b:s4+s5], $0x80, s22, s5, $0xb8;
	[tilespmem:$0x18800] =	vst v63  }
0x32: {  	s15 =	rddreg [dreg:$0x10];
	s22 =	simm.s32 $0xC800  }
0x33: {  	[tilespmem:s22], [sflag:$0x4] =	stream.indirect.gather [hbm4b:s4+s5], $0x80, s15, s5, $0xb8;
	[tilespmem:$0x18800] =	vst v63  }
0x34: {  	_ =	swait.ge [sflag:s13], $0x4000  }
0x35: {  	[sflag:s13] =	ssyncset.done $0x0  }
0x36: {  	[sflag:s13] =	ssyncadd.s32 $0xFFFFC000  }
0x37: {  	[tilespmem:s7], [sflag:$0x7] =	stream.indirect.gather.add.f32 [hbm:s2], $0x80, s16, s5, $0xb8;
	[tilespmem:$0x18800] =	vst v63  }
0x38: {  	_ =	swait.ge [sflag:s12], $0x4000  }
0x39: {  	[sflag:s12] =	ssyncset.done $0x0  }
0x3a: {  	s15 =	rddreg [dreg:$0x1b];
	[sflag:s12] =	ssyncadd.s32 $0xFFFFC000  }
0x3b: {  	[hbm4b:s15+s3] =	stream.linear.scatter [tilespmem:s7], [sflag:$0xD], $0x4000, $0x38;
	[tilespmem:$0x18800] =	vst v63  }
0x3c: {  	_ =	swait.ge [sflag:s9], $0x4000  }
0x3d: {  	[sflag:s9] =	ssyncset.done $0x0  }
0x3e: {  	s16 =	rddreg [dreg:$0x11];
	[sflag:s9] =	ssyncadd.s32 $0xFFFFC000  }
0x3f: {  	[tilespmem:s6], [sflag:$0x8] =	stream.indirect.gather.add.f32 [hbm:s2], $0x80, s16, s5, $0xb8;
	[tilespmem:$0x18800] =	vst v63  }
0x40: {  	s16 =	simm.s32 $0x10800  }
0x41: {  	[tilespmem:s16], [sflag:$0x5] =	stream.indirect.gather [hbm4b:s4+s5], $0x80, s29, s5, $0xb8;
	[tilespmem:$0x18800] =	vst v63  }
0x42: {  	_ =	swait.ge [sflag:s11], $0x4000  }
0x43: {  	[sflag:s11] =	ssyncset.done $0x0  }
0x44: {  	s15 =	rddreg [dreg:$0x8];
	[sflag:s11] =	ssyncadd.s32 $0xFFFFC000  }
0x45: {  	[hbm4b:s15+s3] =	stream.linear.scatter [tilespmem:s6], [sflag:$0xE], $0x4000, $0x38;
	[tilespmem:$0x18800] =	vst v63  }
0x46: {  	_ =	swait.ge [sflag:s24], $0x4000  }
0x47: {  	[sflag:s24] =	ssyncset.done $0x0  }
0x48: {  	s29 =	rddreg [dreg:$0x12];
	[sflag:s24] =	ssyncadd.s32 $0xFFFFC000  }
0x49: {  	[tilespmem:s23], [sflag:$0x9] =	stream.indirect.gather.add.f32 [hbm:s2], $0x80, s29, s5, $0xb8;
	[tilespmem:$0x18800] =	vst v63  }
0x4a: {  	s15 =	rddreg [dreg:$0x13];
	s29 =	simm.s32 $0x14800  }
0x4b: {  	[tilespmem:s29], [sflag:$0x6] =	stream.indirect.gather [hbm4b:s4+s5], $0x80, s15, s5, $0xb8;
	[tilespmem:$0x18800] =	vst v63  }
0x4c: {  	_ =	swait.ge [sflag:s25], $0x4000  }
0x4d: {  	[sflag:s25] =	ssyncset.done $0x0  }
0x4e: {  	s15 =	rddreg [dreg:$0x9];
	[sflag:s25] =	ssyncadd.s32 $0xFFFFC000  }
0x4f: {  	[hbm4b:s15+s3] =	stream.linear.scatter [tilespmem:s23], [sflag:$0xF], $0x4000, $0x38;
	[tilespmem:$0x18800] =	vst v63  }
0x50: {  	_ =	swait.ge [sflag:s21], $0x4000  }
0x51: {  	[sflag:s21] =	ssyncset.done $0x0  }
0x52: {  	s15 =	rddreg [dreg:$0x14];
	[sflag:s21] =	ssyncadd.s32 $0xFFFFC000  }
0x53: {  	[tilespmem:s22], [sflag:$0xA] =	stream.indirect.gather.add.f32 [hbm:s2], $0x80, s15, s5, $0xb8;
	[tilespmem:$0x18800] =	vst v63  }
0x54: {  	_ =	swait.ge [sflag:s8], $0x4000  }
0x55: {  	[sflag:s8] =	ssyncset.done $0x0  }
0x56: {  	s23 =	rddreg [dreg:$0x15];
	[sflag:s8] =	ssyncadd.s32 $0xFFFFC000  }
0x57: {  	[tilespmem:s7], [sflag:$0x1] =	stream.indirect.gather [hbm4b:s4+s5], $0x80, s23, s5, $0xb8;
	[tilespmem:$0x18800] =	vst v63  }
0x58: {  	_ =	swait.ge [sflag:s0], $0x4000  }
0x59: {  	[sflag:s0] =	ssyncset.done $0x0  }
0x5a: {  	s15 =	rddreg [dreg:$0xa];
	[sflag:s0] =	ssyncadd.s32 $0xFFFFC000  }
0x5b: {  	[hbm4b:s15+s3] =	stream.linear.scatter [tilespmem:s22], [sflag:$0x10], $0x4000, $0x38;
	[tilespmem:$0x18800] =	vst v63  }
0x5c: {  	_ =	swait.ge [sflag:s1], $0x4000  }
0x5d: {  	[sflag:s1] =	ssyncset.done $0x0  }
0x5e: {  	s23 =	rddreg [dreg:$0x16];
	[sflag:s1] =	ssyncadd.s32 $0xFFFFC000  }
0x5f: {  	[tilespmem:s16], [sflag:$0xB] =	stream.indirect.gather.add.f32 [hbm:s2], $0x80, s23, s5, $0xb8;
	[tilespmem:$0x18800] =	vst v63  }
0x60: {  	_ =	swait.ge [sflag:s10], $0x4000  }
0x61: {  	[sflag:s10] =	ssyncset.done $0x0  }
0x62: {  	s15 =	rddreg [dreg:$0x17];
	[sflag:s10] =	ssyncadd.s32 $0xFFFFC000  }
0x63: {  	[tilespmem:s6], [sflag:$0x2] =	stream.indirect.gather [hbm4b:s4+s5], $0x80, s15, s5, $0xb8;
	[tilespmem:$0x18800] =	vst v63  }
0x64: {  	_ =	swait.ge [sflag:s31], $0x4000  }
0x65: {  	[sflag:s31] =	ssyncset.done $0x0  }
0x66: {  	s22 =	rddreg [dreg:$0xb];
	[sflag:s31] =	ssyncadd.s32 $0xFFFFC000  }
0x67: {  	[hbm4b:s22+s3] =	stream.linear.scatter [tilespmem:s16], [sflag:$0x11], $0x4000, $0x38;
	[tilespmem:$0x18800] =	vst v63  }
0x68: {  	_ =	swait.ge [sflag:s28], $0x4000  }
0x69: {  	[sflag:s28] =	ssyncset.done $0x0  }
0x6a: {  	s23 =	rddreg [dreg:$0x18];
	[sflag:s28] =	ssyncadd.s32 $0xFFFFC000  }
0x6b: {  	[tilespmem:s29], [sflag:$0xC] =	stream.indirect.gather.add.f32 [hbm:s2], $0x80, s23, s5, $0xb8;
	[tilespmem:$0x18800] =	vst v63  }
0x6c: {  	_ =	swait.ge [sflag:s26], $0x4000  }
0x6d: {  	[sflag:s26] =	ssyncset.done $0x0  }
0x6e: {  	s15 =	rddreg [dreg:$0xc];
	[sflag:s26] =	ssyncadd.s32 $0xFFFFC000  }
0x6f: {  	[hbm4b:s15+s3] =	stream.linear.scatter [tilespmem:s29], [sflag:$0x12], $0x4000, $0x38;
	[tilespmem:$0x18800] =	vst v63  }
0x70: {  	_ =	swait.ge [sflag:s13], $0x4000  }
0x71: {  	[sflag:s13] =	ssyncset.done $0x0  }
0x72: {  	s16 =	rddreg [dreg:$0x19];
	[sflag:s13] =	ssyncadd.s32 $0xFFFFC000  }
0x73: {  	[tilespmem:s7], [sflag:$0x7] =	stream.indirect.gather.add.f32 [hbm:s2], $0x80, s16, s5, $0xb8;
	[tilespmem:$0x18800] =	vst v63  }
0x74: {  	_ =	swait.ge [sflag:s12], $0x4000  }
0x75: {  	[sflag:s12] =	ssyncset.done $0x0  }
0x76: {  	s22 =	rddreg [dreg:$0xd];
	[sflag:s12] =	ssyncadd.s32 $0xFFFFC000  }
0x77: {  	[hbm4b:s22+s3] =	stream.linear.scatter [tilespmem:s7], [sflag:$0xD], $0x4000, $0x38;
	[tilespmem:$0x18800] =	vst v63  }
0x78: {  	_ =	swait.ge [sflag:s9], $0x4000  }
0x79: {  	[sflag:s9] =	ssyncset.done $0x0  }
0x7a: {  	s23 =	rddreg [dreg:$0x1a];
	[sflag:s9] =	ssyncadd.s32 $0xFFFFC000  }
0x7b: {  	[tilespmem:s6], [sflag:$0x8] =	stream.indirect.gather.add.f32 [hbm:s2], $0x80, s23, s5, $0xb8;
	[tilespmem:$0x18800] =	vst v63  }
0x7c: {  	_ =	swait.ge [sflag:s11], $0x4000  }
0x7d: {  	[sflag:s11] =	ssyncset.done $0x0  }
0x7e: {  	s29 =	rddreg [dreg:$0xe];
	[sflag:s11] =	ssyncadd.s32 $0xFFFFC000  }
0x7f: {  	[hbm4b:s29+s3] =	stream.linear.scatter [tilespmem:s6], [sflag:$0xE], $0x4000, $0x38;
	[tilespmem:$0x18800] =	vst v63  }
0x80: {  	_ =	swait.ge [sflag:s20], $0x4000  }
0x81: {  	[sflag:s20] =	ssyncset.done $0x0  }
0x82: {  	[sflag:s20] =	ssyncadd.s32 $0xFFFFC000  }
0x83: {  	_ =	swait.ge [sflag:s19], $0x4000  }
0x84: {  	[sflag:s19] =	ssyncset.done $0x0  }
0x85: {  	[sflag:s19] =	ssyncadd.s32 $0xFFFFC000  }
0x86: {  	_ =	swait.ge [sflag:s18], $0x4000  }
0x87: {  	[sflag:s18] =	ssyncset.done $0x0  }
0x88: {  	[sflag:s18] =	ssyncadd.s32 $0xFFFFC000  }
0x89: {  	_ =	swait.ge [sflag:s17], $0x4000  }
0x8a: {  	[sflag:s17] =	ssyncset.done $0x0  }
0x8b: {  	p1 =	sne.s32 s30, $0x1;
	[sflag:s17] =	ssyncadd.s32 $0xFFFFC000  }
.Ltmp1:
0x8c: {  	_ =	swait.ge [sflag:s8], $0x4000;
	(pc) =	sbr.rel @!p1 .LBB2_7-.Ltmp1, $4  }
0x8d: {  	[sflag:s8] =	ssyncset.done $0x0  }
0x8e: {  	[sflag:s8] =	ssyncadd.s32 $0xFFFFC000  }
0x8f: {  	p0 =	por $0x1, $0x1;
	_ =	swait.ge [sflag:s10], $0x4000  }
0x90: {  	s14 =	sadd.s32 $0xFFFFFFFF, s30;
	s15 =	rddreg [dreg:$0x6];
	[sflag:s10] =	ssyncset.done $0x0  }
0x91: {  	s23 =	simm.s32 $0x8800;
	s22 =	simm.s32 $0xC800  }
.LBB2_4:
0x92: {  	[sflag:s10] =	ssyncadd.s32 $0xFFFFC000;
	s30 =	simm.s32 $0x200  }
0x93: {  	[tilespmem:s3], [sflag:$0x13] =	stream.strided.gather [hbm4b:s15+s5], $0x400, s30, s5, $0x38;
	[tilespmem:$0x18800] =	vst v63  }
0x94: {  	s16 =	rddreg [dreg:$0x7];
	s29 =	simm.s32 $0x400  }
0x95: {  	[tilespmem:s29], [sflag:$0x14] =	stream.strided.gather [hbm4b:s16+s5], $0x400, s30, s5, $0x38;
	[tilespmem:$0x18800] =	vst v63  }
0x96: {  	s16 =	simm.s32 $0x13  }
0x97: {  	_ =	swait.ge [sflag:s16], $0x400  }
0x98: {  	[sflag:s16] =	ssyncset.done $0x0  }
0x99: {  	[sflag:s16] =	ssyncadd.s32 $0xFFFFFC00;
	s16 =	simm.s32 $0x14  }
0x9a: {  	_ =	swait.ge [sflag:s16], $0x400  }
0x9b: {  	[sflag:s16] =	ssyncset.done $0x0  }
0x9c: {  	[sflag:s16] =	ssyncadd.s32 $0xFFFFFC00  }
0x9d: {  	[tilespmem:s7], [sflag:$0x1] =	stream.indirect.gather [hbm4b:s4+s5], $0x80, s3, s5, $0xb8;
	[tilespmem:$0x18800] =	vst v63  }
0x9e: {  	_ = 	snop  }
0x9f: {  	[tilespmem:s6], [sflag:$0x2] =	stream.indirect.gather [hbm4b:s4+s5], $0x80, s5, s5, $0xb8;
	[tilespmem:$0x18800] =	vst v63  }
0xa0: {  	s15 =	rddreg [dreg:$0xf]  }
0xa1: {  	[tilespmem:s23], [sflag:$0x3] =	stream.indirect.gather [hbm4b:s4+s5], $0x80, s15, s5, $0xb8;
	[tilespmem:$0x18800] =	vst v63  }
0xa2: {  	s16 =	rddreg [dreg:$0x10]  }
0xa3: {  	[tilespmem:s22], [sflag:$0x4] =	stream.indirect.gather [hbm4b:s4+s5], $0x80, s16, s5, $0xb8;
	[tilespmem:$0x18800] =	vst v63  }
0xa4: {  	_ =	swait.ge [sflag:s13], $0x4000  }
0xa5: {  	[sflag:s13] =	ssyncset.done $0x0  }
0xa6: {  	[sflag:s13] =	ssyncadd.s32 $0xFFFFC000  }
0xa7: {  	[tilespmem:s7], [sflag:$0x7] =	stream.indirect.gather.add.f32 [hbm:s2], $0x80, s29, s5, $0xb8;
	[tilespmem:$0x18800] =	vst v63  }
0xa8: {  	_ =	swait.ge [sflag:s12], $0x4000  }
0xa9: {  	[sflag:s12] =	ssyncset.done $0x0  }
0xaa: {  	s16 =	rddreg [dreg:$0x1b];
	[sflag:s12] =	ssyncadd.s32 $0xFFFFC000  }
0xab: {  	[hbm4b:s16+s3] =	stream.linear.scatter [tilespmem:s7], [sflag:$0xD], $0x4000, $0x38;
	[tilespmem:$0x18800] =	vst v63  }
0xac: {  	_ =	swait.ge [sflag:s9], $0x4000  }
0xad: {  	[sflag:s9] =	ssyncset.done $0x0  }
0xae: {  	s29 =	rddreg [dreg:$0x11];
	[sflag:s9] =	ssyncadd.s32 $0xFFFFC000  }
0xaf: {  	[tilespmem:s6], [sflag:$0x8] =	stream.indirect.gather.add.f32 [hbm:s2], $0x80, s29, s5, $0xb8;
	[tilespmem:$0x18800] =	vst v63  }
0xb0: {  	s29 =	simm.s32 $0x10800  }
0xb1: {  	[tilespmem:s29], [sflag:$0x5] =	stream.indirect.gather [hbm4b:s4+s5], $0x80, s30, s5, $0xb8;
	[tilespmem:$0x18800] =	vst v63  }
0xb2: {  	_ =	swait.ge [sflag:s11], $0x4000  }
0xb3: {  	[sflag:s11] =	ssyncset.done $0x0  }
0xb4: {  	s16 =	rddreg [dreg:$0x8];
	[sflag:s11] =	ssyncadd.s32 $0xFFFFC000  }
0xb5: {  	[hbm4b:s16+s3] =	stream.linear.scatter [tilespmem:s6], [sflag:$0xE], $0x4000, $0x38;
	[tilespmem:$0x18800] =	vst v63  }
0xb6: {  	_ =	swait.ge [sflag:s24], $0x4000  }
0xb7: {  	[sflag:s24] =	ssyncset.done $0x0  }
0xb8: {  	s30 =	rddreg [dreg:$0x12];
	[sflag:s24] =	ssyncadd.s32 $0xFFFFC000  }
0xb9: {  	[tilespmem:s23], [sflag:$0x9] =	stream.indirect.gather.add.f32 [hbm:s2], $0x80, s30, s5, $0xb8;
	[tilespmem:$0x18800] =	vst v63  }
0xba: {  	s16 =	rddreg [dreg:$0x13];
	s30 =	simm.s32 $0x14800  }
0xbb: {  	[tilespmem:s30], [sflag:$0x6] =	stream.indirect.gather [hbm4b:s4+s5], $0x80, s16, s5, $0xb8;
	[tilespmem:$0x18800] =	vst v63  }
0xbc: {  	_ =	swait.ge [sflag:s25], $0x4000  }
0xbd: {  	[sflag:s25] =	ssyncset.done $0x0  }
0xbe: {  	s16 =	rddreg [dreg:$0x9];
	[sflag:s25] =	ssyncadd.s32 $0xFFFFC000  }
0xbf: {  	[hbm4b:s16+s3] =	stream.linear.scatter [tilespmem:s23], [sflag:$0xF], $0x4000, $0x38;
	[tilespmem:$0x18800] =	vst v63  }
0xc0: {  	_ =	swait.ge [sflag:s21], $0x4000  }
0xc1: {  	[sflag:s21] =	ssyncset.done $0x0  }
0xc2: {  	s16 =	rddreg [dreg:$0x14];
	[sflag:s21] =	ssyncadd.s32 $0xFFFFC000  }
0xc3: {  	[tilespmem:s22], [sflag:$0xA] =	stream.indirect.gather.add.f32 [hbm:s2], $0x80, s16, s5, $0xb8;
	[tilespmem:$0x18800] =	vst v63  }
0xc4: {  	_ =	swait.ge [sflag:s8], $0x4000  }
0xc5: {  	[sflag:s8] =	ssyncset.done $0x0  }
0xc6: {  	s16 =	rddreg [dreg:$0x15];
	[sflag:s8] =	ssyncadd.s32 $0xFFFFC000  }
0xc7: {  	[tilespmem:s7], [sflag:$0x1] =	stream.indirect.gather [hbm4b:s4+s5], $0x80, s16, s5, $0xb8;
	[tilespmem:$0x18800] =	vst v63  }
0xc8: {  	_ =	swait.ge [sflag:s0], $0x4000  }
0xc9: {  	[sflag:s0] =	ssyncset.done $0x0  }
0xca: {  	s16 =	rddreg [dreg:$0xa];
	[sflag:s0] =	ssyncadd.s32 $0xFFFFC000  }
0xcb: {  	[hbm4b:s16+s3] =	stream.linear.scatter [tilespmem:s22], [sflag:$0x10], $0x4000, $0x38;
	[tilespmem:$0x18800] =	vst v63  }
0xcc: {  	_ =	swait.ge [sflag:s1], $0x4000  }
0xcd: {  	[sflag:s1] =	ssyncset.done $0x0  }
0xce: {  	s16 =	rddreg [dreg:$0x16];
	[sflag:s1] =	ssyncadd.s32 $0xFFFFC000  }
0xcf: {  	[tilespmem:s29], [sflag:$0xB] =	stream.indirect.gather.add.f32 [hbm:s2], $0x80, s16, s5, $0xb8;
	[tilespmem:$0x18800] =	vst v63  }
0xd0: {  	_ =	swait.ge [sflag:s10], $0x4000  }
0xd1: {  	[sflag:s10] =	ssyncset.done $0x0  }
0xd2: {  	s16 =	rddreg [dreg:$0x17];
	[sflag:s10] =	ssyncadd.s32 $0xFFFFC000  }
0xd3: {  	[tilespmem:s6], [sflag:$0x2] =	stream.indirect.gather [hbm4b:s4+s5], $0x80, s16, s5, $0xb8;
	[tilespmem:$0x18800] =	vst v63  }
0xd4: {  	_ =	swait.ge [sflag:s31], $0x4000  }
0xd5: {  	[sflag:s31] =	ssyncset.done $0x0  }
0xd6: {  	s16 =	rddreg [dreg:$0xb];
	[sflag:s31] =	ssyncadd.s32 $0xFFFFC000  }
0xd7: {  	[hbm4b:s16+s3] =	stream.linear.scatter [tilespmem:s29], [sflag:$0x11], $0x4000, $0x38;
	[tilespmem:$0x18800] =	vst v63  }
0xd8: {  	_ =	swait.ge [sflag:s28], $0x4000  }
0xd9: {  	[sflag:s28] =	ssyncset.done $0x0  }
0xda: {  	s16 =	rddreg [dreg:$0x18];
	[sflag:s28] =	ssyncadd.s32 $0xFFFFC000  }
0xdb: {  	[tilespmem:s30], [sflag:$0xC] =	stream.indirect.gather.add.f32 [hbm:s2], $0x80, s16, s5, $0xb8;
	[tilespmem:$0x18800] =	vst v63  }
0xdc: {  	_ =	swait.ge [sflag:s26], $0x4000  }
0xdd: {  	[sflag:s26] =	ssyncset.done $0x0  }
0xde: {  	s29 =	rddreg [dreg:$0xc];
	[sflag:s26] =	ssyncadd.s32 $0xFFFFC000  }
0xdf: {  	[hbm4b:s29+s3] =	stream.linear.scatter [tilespmem:s30], [sflag:$0x12], $0x4000, $0x38;
	[tilespmem:$0x18800] =	vst v63  }
0xe0: {  	_ =	swait.ge [sflag:s13], $0x4000  }
0xe1: {  	[sflag:s13] =	ssyncset.done $0x0  }
0xe2: {  	s30 =	rddreg [dreg:$0x19];
	[sflag:s13] =	ssyncadd.s32 $0xFFFFC000  }
0xe3: {  	[tilespmem:s7], [sflag:$0x7] =	stream.indirect.gather.add.f32 [hbm:s2], $0x80, s30, s5, $0xb8;
	[tilespmem:$0x18800] =	vst v63  }
0xe4: {  	_ =	swait.ge [sflag:s12], $0x4000  }
0xe5: {  	[sflag:s12] =	ssyncset.done $0x0  }
0xe6: {  	s16 =	rddreg [dreg:$0xd];
	[sflag:s12] =	ssyncadd.s32 $0xFFFFC000  }
0xe7: {  	[hbm4b:s16+s3] =	stream.linear.scatter [tilespmem:s7], [sflag:$0xD], $0x4000, $0x38;
	[tilespmem:$0x18800] =	vst v63  }
0xe8: {  	_ =	swait.ge [sflag:s9], $0x4000  }
0xe9: {  	[sflag:s9] =	ssyncset.done $0x0  }
0xea: {  	s29 =	rddreg [dreg:$0x1a];
	[sflag:s9] =	ssyncadd.s32 $0xFFFFC000  }
0xeb: {  	[tilespmem:s6], [sflag:$0x8] =	stream.indirect.gather.add.f32 [hbm:s2], $0x80, s29, s5, $0xb8;
	[tilespmem:$0x18800] =	vst v63  }
0xec: {  	_ =	swait.ge [sflag:s11], $0x4000  }
0xed: {  	[sflag:s11] =	ssyncset.done $0x0  }
0xee: {  	s30 =	rddreg [dreg:$0xe];
	[sflag:s11] =	ssyncadd.s32 $0xFFFFC000  }
0xef: {  	[hbm4b:s30+s3] =	stream.linear.scatter [tilespmem:s6], [sflag:$0xE], $0x4000, $0x38;
	[tilespmem:$0x18800] =	vst v63  }
0xf0: {  	_ =	swait.ge [sflag:s20], $0x4000  }
0xf1: {  	[sflag:s20] =	ssyncset.done $0x0  }
0xf2: {  	[sflag:s20] =	ssyncadd.s32 $0xFFFFC000  }
0xf3: {  	_ =	swait.ge [sflag:s19], $0x4000  }
0xf4: {  	[sflag:s19] =	ssyncset.done $0x0  }
0xf5: {  	[sflag:s19] =	ssyncadd.s32 $0xFFFFC000  }
0xf6: {  	_ =	swait.ge [sflag:s18], $0x4000  }
0xf7: {  	[sflag:s18] =	ssyncset.done $0x0  }
0xf8: {  	[sflag:s18] =	ssyncadd.s32 $0xFFFFC000  }
0xf9: {  	_ =	swait.ge [sflag:s17], $0x4000  }
0xfa: {  	[sflag:s17] =	ssyncset.done $0x0  }
0xfb: {  	p1 =	sne.s32 s14, $0x1;
	[sflag:s17] =	ssyncadd.s32 $0xFFFFC000  }
.Ltmp2:
0xfc: {  	_ =	swait.ge [sflag:s8], $0x4000;
	(pc) =	sbr.rel @p1 .LBB2_4-.Ltmp2, $4  }
0xfd: {  	[sflag:s8] =	ssyncset.done $0x0  }
0xfe: {  	[sflag:s8] =	ssyncadd.s32 $0xFFFFC000  }
0xff: {  	_ =	swait.ge [sflag:s10], $0x4000  }
0x100: {  	s14 =	sadd.s32 $0xFFFFFFFF, s14;
	s15 =	rddreg [dreg:$0x6];
	[sflag:s10] =	ssyncset.done $0x0  }
0x101: {  	s17 =	rddreg [dreg:$0x1b];
	s16 =	stileid.u32  }
.LBB2_6:
0x102: {  	[sflag:s10] =	ssyncadd.s32 @p0 $0xFFFFC000;
	s20 =	simm.s32 $0x200  }
0x103: {  	[tilespmem:s3], [sflag:$0x13] =	stream.strided.gather [hbm4b:s15+s5], $0x400, s20, s5, $0x38;
	[tilespmem:$0x18800] =	vst v63  }
0x104: {  	s14 =	rddreg [dreg:$0x7];
	s1 =	simm.s32 $0x400;
	s0 =	simm.s32 $0x13  }
0x105: {  	[tilespmem:s1], [sflag:$0x14] =	stream.strided.gather [hbm4b:s14+s5], $0x400, s20, s5, $0x38;
	[tilespmem:$0x18800] =	vst v63  }
0x106: {  	_ =	swait.ge [sflag:s0], $0x400  }
0x107: {  	[sflag:s0] =	ssyncset.done $0x0  }
0x108: {  	s29 =	simm.s32 $0x14;
	[sflag:s0] =	ssyncadd.s32 $0xFFFFFC00  }
0x109: {  	_ =	swait.ge [sflag:s29], $0x400  }
0x10a: {  	[sflag:s29] =	ssyncset.done $0x0  }
0x10b: {  	[sflag:s29] =	ssyncadd.s32 $0xFFFFFC00  }
0x10c: {  	[tilespmem:s7], [sflag:$0x1] =	stream.indirect.gather [hbm4b:s4+s5], $0x80, s3, s5, $0xb8;
	[tilespmem:$0x18800] =	vst v63  }
0x10d: {  	_ = 	snop  }
0x10e: {  	[tilespmem:s6], [sflag:$0x2] =	stream.indirect.gather [hbm4b:s4+s5], $0x80, s5, s5, $0xb8;
	[tilespmem:$0x18800] =	vst v63  }
0x10f: {  	s19 =	simm.s32 $0x8800;
	s30 =	rddreg [dreg:$0xf]  }
0x110: {  	[tilespmem:s19], [sflag:$0x3] =	stream.indirect.gather [hbm4b:s4+s5], $0x80, s30, s5, $0xb8;
	[tilespmem:$0x18800] =	vst v63  }
0x111: {  	s18 =	simm.s32 $0xC800;
	s31 =	rddreg [dreg:$0x10]  }
0x112: {  	[tilespmem:s18], [sflag:$0x4] =	stream.indirect.gather [hbm4b:s4+s5], $0x80, s31, s5, $0xb8;
	[tilespmem:$0x18800] =	vst v63  }
0x113: {  	_ =	swait.ge [sflag:s13], $0x4000  }
0x114: {  	[sflag:s13] =	ssyncset.done $0x0  }
0x115: {  	[sflag:s13] =	ssyncadd.s32 $0xFFFFC000  }
0x116: {  	[tilespmem:s7], [sflag:$0x7] =	stream.indirect.gather.add.f32 [hbm:s2], $0x80, s1, s5, $0xb8;
	[tilespmem:$0x18800] =	vst v63  }
0x117: {  	_ =	swait.ge [sflag:s12], $0x4000  }
0x118: {  	[sflag:s12] =	ssyncset.done $0x0  }
0x119: {  	[sflag:s12] =	ssyncadd.s32 $0xFFFFC000  }
0x11a: {  	[hbm4b:s17+s3] =	stream.linear.scatter [tilespmem:s7], [sflag:$0xD], $0x4000, $0x38;
	[tilespmem:$0x18800] =	vst v63  }
0x11b: {  	_ =	swait.ge [sflag:s9], $0x4000  }
0x11c: {  	[sflag:s9] =	ssyncset.done $0x0  }
0x11d: {  	s1 =	rddreg [dreg:$0x11];
	[sflag:s9] =	ssyncadd.s32 $0xFFFFC000  }
0x11e: {  	[tilespmem:s6], [sflag:$0x8] =	stream.indirect.gather.add.f32 [hbm:s2], $0x80, s1, s5, $0xb8;
	[tilespmem:$0x18800] =	vst v63  }
0x11f: {  	s17 =	simm.s32 $0x10800  }
0x120: {  	[tilespmem:s17], [sflag:$0x5] =	stream.indirect.gather [hbm4b:s4+s5], $0x80, s20, s5, $0xb8;
	[tilespmem:$0x18800] =	vst v63  }
0x121: {  	_ =	swait.ge [sflag:s11], $0x4000  }
0x122: {  	[sflag:s11] =	ssyncset.done $0x0  }
0x123: {  	s15 =	simm.s32 $0x3;
	s14 =	rddreg [dreg:$0x8];
	[sflag:s11] =	ssyncadd.s32 $0xFFFFC000  }
0x124: {  	[hbm4b:s14+s3] =	stream.linear.scatter [tilespmem:s6], [sflag:$0xE], $0x4000, $0x38;
	[tilespmem:$0x18800] =	vst v63  }
0x125: {  	_ =	swait.ge [sflag:s15], $0x4000  }
0x126: {  	[sflag:s15] =	ssyncset.done $0x0  }
0x127: {  	s20 =	rddreg [dreg:$0x12];
	[sflag:s15] =	ssyncadd.s32 $0xFFFFC000  }
0x128: {  	[tilespmem:s19], [sflag:$0x9] =	stream.indirect.gather.add.f32 [hbm:s2], $0x80, s20, s5, $0xb8;
	[tilespmem:$0x18800] =	vst v63  }
0x129: {  	s22 =	simm.s32 $0x9;
	s21 =	rddreg [dreg:$0x13];
	s15 =	simm.s32 $0x14800  }
0x12a: {  	[tilespmem:s15], [sflag:$0x6] =	stream.indirect.gather [hbm4b:s4+s5], $0x80, s21, s5, $0xb8;
	[tilespmem:$0x18800] =	vst v63  }
0x12b: {  	_ =	swait.ge [sflag:s22], $0x4000  }
0x12c: {  	[sflag:s22] =	ssyncset.done $0x0  }
0x12d: {  	s24 =	simm.s32 $0x4;
	s23 =	rddreg [dreg:$0x9];
	[sflag:s22] =	ssyncadd.s32 $0xFFFFC000  }
0x12e: {  	[hbm4b:s23+s3] =	stream.linear.scatter [tilespmem:s19], [sflag:$0xF], $0x4000, $0x38;
	[tilespmem:$0x18800] =	vst v63  }
0x12f: {  	_ =	swait.ge [sflag:s24], $0x4000  }
0x130: {  	[sflag:s24] =	ssyncset.done $0x0  }
0x131: {  	s25 =	rddreg [dreg:$0x14];
	[sflag:s24] =	ssyncadd.s32 $0xFFFFC000  }
0x132: {  	[tilespmem:s18], [sflag:$0xA] =	stream.indirect.gather.add.f32 [hbm:s2], $0x80, s25, s5, $0xb8;
	[tilespmem:$0x18800] =	vst v63  }
0x133: {  	_ =	swait.ge [sflag:s8], $0x4000  }
0x134: {  	[sflag:s8] =	ssyncset.done $0x0  }
0x135: {  	s28 =	simm.s32 $0xA;
	s26 =	rddreg [dreg:$0x15];
	[sflag:s8] =	ssyncadd.s32 $0xFFFFC000  }
0x136: {  	[tilespmem:s7], [sflag:$0x1] =	stream.indirect.gather [hbm4b:s4+s5], $0x80, s26, s5, $0xb8;
	[tilespmem:$0x18800] =	vst v63  }
0x137: {  	_ =	swait.ge [sflag:s28], $0x4000  }
0x138: {  	[sflag:s28] =	ssyncset.done $0x0  }
0x139: {  	s30 =	simm.s32 $0x5;
	s29 =	rddreg [dreg:$0xa];
	[sflag:s28] =	ssyncadd.s32 $0xFFFFC000  }
0x13a: {  	[hbm4b:s29+s3] =	stream.linear.scatter [tilespmem:s18], [sflag:$0x10], $0x4000, $0x38;
	[tilespmem:$0x18800] =	vst v63  }
0x13b: {  	_ =	swait.ge [sflag:s30], $0x4000  }
0x13c: {  	[sflag:s30] =	ssyncset.done $0x0  }
0x13d: {  	s31 =	rddreg [dreg:$0x16];
	[sflag:s30] =	ssyncadd.s32 $0xFFFFC000  }
0x13e: {  	[tilespmem:s17], [sflag:$0xB] =	stream.indirect.gather.add.f32 [hbm:s2], $0x80, s31, s5, $0xb8;
	[tilespmem:$0x18800] =	vst v63  }
0x13f: {  	_ =	swait.ge [sflag:s10], $0x4000  }
0x140: {  	[sflag:s10] =	ssyncset.done $0x0  }
0x141: {  	s14 =	simm.s32 $0xB;
	s1 =	rddreg [dreg:$0x17];
	[sflag:s10] =	ssyncadd.s32 $0xFFFFC000  }
0x142: {  	[tilespmem:s6], [sflag:$0x2] =	stream.indirect.gather [hbm4b:s4+s5], $0x80, s1, s5, $0xb8;
	[tilespmem:$0x18800] =	vst v63  }
0x143: {  	_ =	swait.ge [sflag:s14], $0x4000  }
0x144: {  	[sflag:s14] =	ssyncset.done $0x0  }
0x145: {  	s19 =	simm.s32 $0x6;
	s18 =	rddreg [dreg:$0xb];
	[sflag:s14] =	ssyncadd.s32 $0xFFFFC000  }
0x146: {  	[hbm4b:s18+s3] =	stream.linear.scatter [tilespmem:s17], [sflag:$0x11], $0x4000, $0x38;
	[tilespmem:$0x18800] =	vst v63  }
0x147: {  	_ =	swait.ge [sflag:s19], $0x4000  }
0x148: {  	[sflag:s19] =	ssyncset.done $0x0  }
0x149: {  	s21 =	simm.s32 $0xC;
	s20 =	rddreg [dreg:$0x18];
	[sflag:s19] =	ssyncadd.s32 $0xFFFFC000  }
0x14a: {  	[tilespmem:s15], [sflag:$0xC] =	stream.indirect.gather.add.f32 [hbm:s2], $0x80, s20, s5, $0xb8;
	[tilespmem:$0x18800] =	vst v63  }
0x14b: {  	_ =	swait.ge [sflag:s21], $0x4000  }
0x14c: {  	[sflag:s21] =	ssyncset.done $0x0  }
0x14d: {  	s22 =	rddreg [dreg:$0xc];
	[sflag:s21] =	ssyncadd.s32 $0xFFFFC000  }
0x14e: {  	[hbm4b:s22+s3] =	stream.linear.scatter [tilespmem:s15], [sflag:$0x12], $0x4000, $0x38;
	[tilespmem:$0x18800] =	vst v63  }
0x14f: {  	_ =	swait.ge [sflag:s13], $0x4000  }
0x150: {  	[sflag:s13] =	ssyncset.done $0x0  }
0x151: {  	s23 =	rddreg [dreg:$0x19];
	[sflag:s13] =	ssyncadd.s32 $0xFFFFC000  }
0x152: {  	[tilespmem:s7], [sflag:$0x7] =	stream.indirect.gather.add.f32 [hbm:s2], $0x80, s23, s5, $0xb8;
	[tilespmem:$0x18800] =	vst v63  }
0x153: {  	_ =	swait.ge [sflag:s12], $0x4000  }
0x154: {  	[sflag:s12] =	ssyncset.done $0x0  }
0x155: {  	s24 =	rddreg [dreg:$0xd];
	[sflag:s12] =	ssyncadd.s32 $0xFFFFC000  }
0x156: {  	[hbm4b:s24+s3] =	stream.linear.scatter [tilespmem:s7], [sflag:$0xD], $0x4000, $0x38;
	[tilespmem:$0x18800] =	vst v63  }
0x157: {  	_ =	swait.ge [sflag:s9], $0x4000  }
0x158: {  	[sflag:s9] =	ssyncset.done $0x0  }
0x159: {  	s25 =	rddreg [dreg:$0x1a];
	[sflag:s9] =	ssyncadd.s32 $0xFFFFC000  }
0x15a: {  	[tilespmem:s6], [sflag:$0x8] =	stream.indirect.gather.add.f32 [hbm:s2], $0x80, s25, s5, $0xb8;
	[tilespmem:$0x18800] =	vst v63  }
0x15b: {  	_ =	swait.ge [sflag:s11], $0x4000  }
0x15c: {  	[sflag:s11] =	ssyncset.done $0x0  }
0x15d: {  	s28 =	simm.s32 $0xF;
	s26 =	rddreg [dreg:$0xe];
	[sflag:s11] =	ssyncadd.s32 $0xFFFFC000  }
0x15e: {  	[hbm4b:s26+s3] =	stream.linear.scatter [tilespmem:s6], [sflag:$0xE], $0x4000, $0x38;
	[tilespmem:$0x18800] =	vst v63  }
0x15f: {  	_ =	swait.ge [sflag:s28], $0x4000  }
0x160: {  	[sflag:s28] =	ssyncset.done $0x0  }
0x161: {  	s29 =	simm.s32 $0x10;
	[sflag:s28] =	ssyncadd.s32 $0xFFFFC000  }
0x162: {  	_ =	swait.ge [sflag:s29], $0x4000  }
0x163: {  	[sflag:s29] =	ssyncset.done $0x0  }
0x164: {  	s30 =	simm.s32 $0x11;
	[sflag:s29] =	ssyncadd.s32 $0xFFFFC000  }
0x165: {  	_ =	swait.ge [sflag:s30], $0x4000  }
0x166: {  	[sflag:s30] =	ssyncset.done $0x0  }
0x167: {  	s31 =	simm.s32 $0x12;
	[sflag:s30] =	ssyncadd.s32 $0xFFFFC000  }
0x168: {  	_ =	swait.ge [sflag:s31], $0x4000  }
0x169: {  	[sflag:s31] =	ssyncset.done $0x0  }
0x16a: {  	[sflag:s31] =	ssyncadd.s32 $0xFFFFC000  }
0x16b: {  	_ =	swait.ge [sflag:s8], $0x4000  }
0x16c: {  	[sflag:s8] =	ssyncset.done $0x0  }
0x16d: {  	[sflag:s8] =	ssyncadd.s32 $0xFFFFC000  }
0x16e: {  	_ =	swait.ge [sflag:s10], $0x4000  }
0x16f: {  	[sflag:s10] =	ssyncset.done $0x0  }
0x170: {  	[sflag:s10] =	ssyncadd.s32 $0xFFFFC000  }
0x171: {  	_ =	sfence.sel $0x180000  }
0x172: {  	[bflag:$0x0] =	sbarrier.arrive $0xFFFF  }
0x173: {  	_ =	strace $0x90000047  }
0x174: {  	[bflag:$0x2] =	sbarrier.arrive $0xFFFF  }
0x175: {  	p0 =	sne.s32 s16, $0x0;
	s0 =	rddreg [dreg:$0x5]  }
0x176: {  	s0 =	sadd.s32 @!p0 $0x100000, s0  }
0x177: {  	[sflag:s0] =	ssyncadd.tile.s32 @!p0 $0x1;
	_ =	shalt  }
.LBB2_1:
.Ltmp3:
0x178: {  	(pc) =	sbr.rel .LBB2_6-.Ltmp3, $2  }
0x179: {  	_ =	sdelay $0x2  }
0x17a: {  	s17 =	rddreg [dreg:$0x1b]  }
.LBB2_7:
.Ltmp4:
0x17b: {  	(pc) =	sbr.rel .LBB2_6-.Ltmp4, $2  }
0x17c: {  	_ =	sdelay $0x2  }
0x17d: {  	s17 =	rddreg [dreg:$0x1b];
	s16 =	stileid.u32  }
.Lfunc_end2:
_tile_overlayer_lowered:
.L_overlay_start_2:
0x17e: {  	(tag) =	ssettag $0x2  }
0x17f: {  	s0 =	rddreg [dreg:$0x0];
	s2 =	stileid.u32  }
0x180: {  	s1 =	rddreg [dreg:$0x1];
	p0 =	sne.s32 s2, $0x0  }
0x181: {  	s3 =	rddreg [dreg:$0x2];
	[bflag:$0x3] =	sbarrier.arrive $0xFFFF;
	s2 =	simm.s32 @!p0 $0x1C15  }
0x182: {  	[timem:s3], [sflag:s2] =	dma.local @!p0 [hbm:s0], s1  }
0x183: {  	s0 =	simm.s32 @!p0 $0x15  }
0x184: {  	_ =	swait.ge @!p0 [sflag:s0], s1  }
0x185: {  	s1 =	ssub.s32 @!p0 $0x0, s1;
	[sflag:s0] =	ssyncset.done @!p0 $0x0  }
0x186: {  	[sflag:s0] =	ssyncadd.s32 @!p0 s1  }
0x187: {  	[bflag:$0x3] =	sbarrier.arrive $0xFFFF  }
0x188: {  	_ =	shalt  }

</sc_bundles>
